<compile_context>
chip_gen: v7x
topology: tpu7x:2x2x1
jax: 0.10.2.dev20260603
libtpu: 0.0.44.dev20260713+nightly
codegen_flags: <defaults>
</compile_context>

<pallas_src>
import functools

import jax
import jax.numpy as jnp
from jax import lax
from jax.experimental import pallas as pl
from jax.experimental.pallas import tpu as pltpu
from jax.experimental.pallas import tpu_sc as plsc

B = 16384
L = 200
HID = 64
H2 = 2 * HID
NCLS = 100
NP = 128

NC = 2
NS = 16
NW = NC * NS
BLK = 128
NBLK = B // BLK
BLKS_W = NBLK // NW
KQ = 8


def _build_row(xb, t, ring, slot):
    tv = jnp.full((16,), t, jnp.int32)
    for j in range(BLK // 16):
        rows = lax.iota(jnp.int32, 16) + j * 16
        ring[slot, pl.ds(j * 16, 16)] = plsc.load_gather(xb, [rows, tv])


def _pool_body(x3_ref, emb_ref, out_ref, xb, ring, dst, sem):
    c = lax.axis_index("c")
    s = lax.axis_index("s")
    wid = s * NC + c

    def block(k, carry):
        bb = wid * BLKS_W + k
        pltpu.sync_copy(x3_ref.at[pl.ds(bb * BLK, BLK)], xb)
        _build_row(xb, 0, ring, 0)
        pltpu.async_copy(emb_ref.at[ring.at[0]], dst, sem).wait()
        for t in range(1, KQ):
            _build_row(xb, t, ring, t)
            pltpu.async_copy(emb_ref.at[ring.at[t]], dst, sem, add=True)

        def tok(t, carry2):
            pltpu.make_async_copy(emb_ref.at[ring.at[0]], dst, sem).wait()
            slot = jnp.bitwise_and(t, KQ - 1)
            _build_row(xb, t, ring, slot)
            pltpu.async_copy(emb_ref.at[ring.at[slot]], dst, sem, add=True)
            return carry2

        lax.fori_loop(KQ, L, tok, 0)
        for _ in range(KQ - 1):
            pltpu.make_async_copy(emb_ref.at[ring.at[0]], dst, sem).wait()
        pltpu.sync_copy(dst, out_ref.at[pl.ds(bb * BLK, BLK)])
        return carry

    lax.fori_loop(0, BLKS_W, block, 0)


@jax.jit
def _pool(x3, emb):
    mesh = plsc.VectorSubcoreMesh(core_axis_name="c", subcore_axis_name="s")
    f = functools.partial(
        pl.kernel,
        out_type=jax.ShapeDtypeStruct((B, HID), jnp.float32),
        mesh=mesh,
        scratch_types=[
            pltpu.VMEM((BLK, L), jnp.int32),
            pltpu.VMEM((KQ, BLK), jnp.int32),
            pltpu.VMEM((BLK, HID), jnp.float32),
            pltpu.SemaphoreType.DMA,
        ],
        compiler_params=pltpu.CompilerParams(
            use_tc_tiling_on_sc=False, needs_layout_passes=False),
    )(_pool_body)
    return f(x3, emb)


def _mlp_body(p_ref, w1_ref, b1_ref, w2_ref, b2_ref, w3_ref, b3_ref, o_ref):
    h = jnp.dot(p_ref[...], w1_ref[...], preferred_element_type=jnp.float32)
    h = jnp.maximum(h + b1_ref[...], 0.0)
    h = jnp.dot(h, w2_ref[...], preferred_element_type=jnp.float32)
    h = jnp.maximum(h + b2_ref[...], 0.0)
    o_ref[...] = jnp.dot(h, w3_ref[...],
                         preferred_element_type=jnp.float32) + b3_ref[...]


@jax.jit
def _mlp(pooled, w1, b1, w2, b2, w3, b3):
    BM = 2048
    grid = (B // BM,)
    return pl.pallas_call(
        _mlp_body,
        grid=grid,
        in_specs=[
            pl.BlockSpec((BM, HID), lambda i: (i, 0)),
            pl.BlockSpec((HID, H2), lambda i: (0, 0)),
            pl.BlockSpec((1, H2), lambda i: (0, 0)),
            pl.BlockSpec((H2, H2), lambda i: (0, 0)),
            pl.BlockSpec((1, H2), lambda i: (0, 0)),
            pl.BlockSpec((H2, NP), lambda i: (0, 0)),
            pl.BlockSpec((1, NP), lambda i: (0, 0)),
        ],
        out_specs=pl.BlockSpec((BM, NP), lambda i: (i, 0)),
        out_shape=jax.ShapeDtypeStruct((B, NP), jnp.float32),
    )(pooled, w1, b1, w2, b2, w3, b3)


def kernel(x, emb, W1, b1, W2, b2, W3, b3):
    pooled = _pool(x.astype(jnp.int32), emb)

    w1 = W1 * (1.0 / L)
    w3 = jnp.pad(W3, ((0, 0), (0, NP - NCLS)))
    b3p = jnp.pad(b3, (0, NP - NCLS))
    out = _mlp(pooled, w1, b1.reshape(1, H2), W2, b2.reshape(1, H2),
               w3, b3p.reshape(1, NP))
    return out[:, :NCLS]

# --- scband reference (transcript-rebuilt; emitter-appended) ---
"""Pipeline reference for scband-emb-net-1735166788036 (READ-ONLY COPY).

The authoritative reference and input builder live on the scoring server;
editing this copy changes nothing except your own understanding.
"""

import jax, jax.numpy as jnp
import numpy as np

VOCAB = 1000000
HID = 64
NCLS = 100
B = 16384
L = 200


def setup_inputs(seed: int = 0) -> dict:
    key = jax.random.key(seed)
    ks = jax.random.split(key, 8)
    x = jax.random.randint(ks[0], (B, L), 0, VOCAB, dtype=jnp.int64 if jax.config.read('jax_enable_x64') else jnp.int32)
    emb = jax.random.normal(ks[1], (VOCAB, HID), dtype=jnp.float32) * 0.02
    W1 = jax.random.normal(ks[2], (HID, HID * 2), dtype=jnp.float32) * 0.05
    b1 = jnp.zeros((HID * 2,), jnp.float32)
    W2 = jax.random.normal(ks[3], (HID * 2, HID * 2), dtype=jnp.float32) * 0.05
    b2 = jnp.zeros((HID * 2,), jnp.float32)
    W3 = jax.random.normal(ks[4], (HID * 2, NCLS), dtype=jnp.float32) * 0.05
    b3 = jnp.zeros((NCLS,), jnp.float32)
    return {"x": x, "emb": emb, "W1": W1, "b1": b1, "W2": W2, "b2": b2, "W3": W3, "b3": b3}


def reference(x, emb, W1, b1, W2, b2, W3, b3):
    h = jnp.take(emb, x, axis=0)          # [B, L, HID] gather
    h = jnp.mean(h, axis=1)               # mask is None path: mean over seq dim
    h = jax.nn.relu(h @ W1 + b1)
    h = jax.nn.relu(h @ W2 + b2)
    out = h @ W3 + b3
    return out

if __name__ == "__main__":
    import jax
    _d = setup_inputs()
    print(jax.jit(kernel)(*tuple(_d.values())))

</pallas_src>

<mosaic_0001>
#map = affine_map<(d0, d1) -> (0, 0)>
module attributes {stable_mosaic.version = 14 : i64} {
  func.func @_pool_body(%arg0: i32, %arg1: i32, %arg2: memref<16384x200xi32, #tpu.memory_space<hbm>>, %arg3: memref<1000000x64xf32, #tpu.memory_space<hbm>>, %arg4: memref<16384x64xf32, #tpu.memory_space<hbm>>, %arg5: memref<128x200xi32, #tpu.memory_space<vmem>>, %arg6: memref<8x128xi32, #tpu.memory_space<vmem>>, %arg7: memref<128x64xf32, #tpu.memory_space<vmem>>, %arg8: memref<!tpu.dma_semaphore, #tpu.memory_space<semaphore_mem>>) attributes {dimension_semantics = [#tpu.dimension_semantics<core_parallel>, #tpu.dimension_semantics<subcore_parallel>], iteration_bounds = array<i64: 2, 16>, scalar_prefetch = 0 : i64, scratch_operands = 4 : i64, tpu.core_type = #tpu.core_type<sc_vector_subcore>, window_params = [{transform_indices = #map}, {transform_indices = #map}, {transform_indices = #map}]} {
    %mul3A = arith.constant 2 : i32
    %mul3A_0 = arith.muli %arg1, %mul3A : i32
    %add3A = arith.addi %mul3A_0, %arg0 : i32
    %scan3A = arith.constant 0 : i32
    %scan3A_1 = arith.constant 0 : i32
    %scan3A_2 = arith.constant 4 : i32
    %scan3A_3 = arith.addi %scan3A_1, %scan3A_2 : i32
    %scan3A_4 = arith.constant 1 : i32
    scf.for %scan3A_6 = %scan3A_1 to %scan3A_3 step %scan3A_4  : i32 {
      %mul3A_7 = arith.constant 4 : i32
      %mul3A_8 = arith.muli %add3A, %mul3A_7 : i32
      %add3A_9 = arith.addi %mul3A_8, %scan3A_6 : i32
      %mul3A_10 = arith.constant 128 : i32
      %mul3A_11 = arith.muli %add3A_9, %mul3A_10 : i32
      "tpu.region"() ({
        %run_scoped3A = tpu.sem_alloc : memref<!tpu.dma_semaphore, #tpu.memory_space<semaphore_mem>>
        %dma_start3A_718 = arith.constant 0 : i32
        %dma_start3A_719 = tpu.memref_slice %arg2[%mul3A_11, %dma_start3A_718] : memref<16384x200xi32, #tpu.memory_space<hbm>> -> memref<128x200xi32, #tpu.memory_space<hbm>>
        %dma_start3A_720 = arith.constant 0 : i32
        %dma_start3A_721 = tpu.memref_slice %arg2[%mul3A_11, %dma_start3A_720] : memref<16384x200xi32, #tpu.memory_space<hbm>> -> memref<128x200xi32, #tpu.memory_space<hbm>>
        tpu.enqueue_dma source(%dma_start3A_721 : memref<128x200xi32, #tpu.memory_space<hbm>>) target(%arg5 : memref<128x200xi32, #tpu.memory_space<vmem>>) target_semaphore(%run_scoped3A : memref<!tpu.dma_semaphore, #tpu.memory_space<semaphore_mem>>)
        %dma_wait3A_722 = arith.constant 0 : i32
        %dma_wait3A_723 = tpu.memref_slice %arg2[%mul3A_11, %dma_wait3A_722] : memref<16384x200xi32, #tpu.memory_space<hbm>> -> memref<128x200xi32, #tpu.memory_space<hbm>>
        %dma_wait3A_724 = arith.constant 0 : i32
        %dma_wait3A_725 = tpu.memref_slice %arg2[%mul3A_11, %dma_wait3A_724] : memref<16384x200xi32, #tpu.memory_space<hbm>> -> memref<128x200xi32, #tpu.memory_space<hbm>>
        tpu.wait_dma2 semaphore(%run_scoped3A : memref<!tpu.dma_semaphore, #tpu.memory_space<semaphore_mem>>) src(%dma_wait3A_725 : memref<128x200xi32, #tpu.memory_space<hbm>>) dst(%arg5 : memref<128x200xi32, #tpu.memory_space<vmem>>)
        tpu.yield
      }) : () -> ()
      %broadcast_in_dim3A = arith.constant 0 : i32
      %broadcast_in_dim3A_12 = vector.broadcast %broadcast_in_dim3A : i32 to vector<16xi32>
      %iota3A = tpu.iota {dimensions = array<i32: 0>} : vector<16xi32>
      %add3A_13 = arith.constant 0 : i32
      %add3A_14 = vector.broadcast %add3A_13 : i32 to vector<16xi32>
      %add3A_15 = arith.addi %iota3A, %add3A_14 : vector<16xi32>
      %gather3A = tpu.vector_load_idx %arg5[%add3A_15, %broadcast_in_dim3A_12] : memref<128x200xi32, #tpu.memory_space<vmem>>[vector<16xi32>, vector<16xi32>], vector<16xi32>,
      %swap3A = arith.constant 0 : i32
      %swap3A_16 = arith.index_cast %swap3A : i32 to index
      %swap3A_17 = arith.constant 0 : index
      %swap3A_18 = tpu.vector_load %arg6[%swap3A_16, %swap3A_17] {strides = array<i32>} : memref<8x128xi32, #tpu.memory_space<vmem>>, vector<16xi32>,
      tpu.vector_store %arg6[%swap3A_16, %swap3A_17], %gather3A {strides = array<i32>} : memref<8x128xi32, #tpu.memory_space<vmem>>, vector<16xi32>,
      %iota3A_19 = tpu.iota {dimensions = array<i32: 0>} : vector<16xi32>
      %add3A_20 = arith.constant 16 : i32
      %add3A_21 = vector.broadcast %add3A_20 : i32 to vector<16xi32>
      %add3A_22 = arith.addi %iota3A_19, %add3A_21 : vector<16xi32>
      %gather3A_23 = tpu.vector_load_idx %arg5[%add3A_22, %broadcast_in_dim3A_12] : memref<128x200xi32, #tpu.memory_space<vmem>>[vector<16xi32>, vector<16xi32>], vector<16xi32>,
      %swap3A_24 = arith.constant 0 : i32
      %swap3A_25 = arith.index_cast %swap3A_24 : i32 to index
      %swap3A_26 = arith.constant 16 : index
      %swap3A_27 = tpu.vector_load %arg6[%swap3A_25, %swap3A_26] {strides = array<i32>} : memref<8x128xi32, #tpu.memory_space<vmem>>, vector<16xi32>,
      tpu.vector_store %arg6[%swap3A_25, %swap3A_26], %gather3A_23 {strides = array<i32>} : memref<8x128xi32, #tpu.memory_space<vmem>>, vector<16xi32>,
      %iota3A_28 = tpu.iota {dimensions = array<i32: 0>} : vector<16xi32>
      %add3A_29 = arith.constant 32 : i32
      %add3A_30 = vector.broadcast %add3A_29 : i32 to vector<16xi32>
      %add3A_31 = arith.addi %iota3A_28, %add3A_30 : vector<16xi32>
      %gather3A_32 = tpu.vector_load_idx %arg5[%add3A_31, %broadcast_in_dim3A_12] : memref<128x200xi32, #tpu.memory_space<vmem>>[vector<16xi32>, vector<16xi32>], vector<16xi32>,
      %swap3A_33 = arith.constant 0 : i32
      %swap3A_34 = arith.index_cast %swap3A_33 : i32 to index
      %swap3A_35 = arith.constant 32 : index
      %swap3A_36 = tpu.vector_load %arg6[%swap3A_34, %swap3A_35] {strides = array<i32>} : memref<8x128xi32, #tpu.memory_space<vmem>>, vector<16xi32>,
      tpu.vector_store %arg6[%swap3A_34, %swap3A_35], %gather3A_32 {strides = array<i32>} : memref<8x128xi32, #tpu.memory_space<vmem>>, vector<16xi32>,
      %iota3A_37 = tpu.iota {dimensions = array<i32: 0>} : vector<16xi32>
      %add3A_38 = arith.constant 48 : i32
      %add3A_39 = vector.broadcast %add3A_38 : i32 to vector<16xi32>
      %add3A_40 = arith.addi %iota3A_37, %add3A_39 : vector<16xi32>
      %gather3A_41 = tpu.vector_load_idx %arg5[%add3A_40, %broadcast_in_dim3A_12] : memref<128x200xi32, #tpu.memory_space<vmem>>[vector<16xi32>, vector<16xi32>], vector<16xi32>,
      %swap3A_42 = arith.constant 0 : i32
      %swap3A_43 = arith.index_cast %swap3A_42 : i32 to index
      %swap3A_44 = arith.constant 48 : index
      %swap3A_45 = tpu.vector_load %arg6[%swap3A_43, %swap3A_44] {strides = array<i32>} : memref<8x128xi32, #tpu.memory_space<vmem>>, vector<16xi32>,
      tpu.vector_store %arg6[%swap3A_43, %swap3A_44], %gather3A_41 {strides = array<i32>} : memref<8x128xi32, #tpu.memory_space<vmem>>, vector<16xi32>,
      %iota3A_46 = tpu.iota {dimensions = array<i32: 0>} : vector<16xi32>
      %add3A_47 = arith.constant 64 : i32
      %add3A_48 = vector.broadcast %add3A_47 : i32 to vector<16xi32>
      %add3A_49 = arith.addi %iota3A_46, %add3A_48 : vector<16xi32>
      %gather3A_50 = tpu.vector_load_idx %arg5[%add3A_49, %broadcast_in_dim3A_12] : memref<128x200xi32, #tpu.memory_space<vmem>>[vector<16xi32>, vector<16xi32>], vector<16xi32>,
      %swap3A_51 = arith.constant 0 : i32
      %swap3A_52 = arith.index_cast %swap3A_51 : i32 to index
      %swap3A_53 = arith.constant 64 : index
      %swap3A_54 = tpu.vector_load %arg6[%swap3A_52, %swap3A_53] {strides = array<i32>} : memref<8x128xi32, #tpu.memory_space<vmem>>, vector<16xi32>,
      tpu.vector_store %arg6[%swap3A_52, %swap3A_53], %gather3A_50 {strides = array<i32>} : memref<8x128xi32, #tpu.memory_space<vmem>>, vector<16xi32>,
      %iota3A_55 = tpu.iota {dimensions = array<i32: 0>} : vector<16xi32>
      %add3A_56 = arith.constant 80 : i32
      %add3A_57 = vector.broadcast %add3A_56 : i32 to vector<16xi32>
      %add3A_58 = arith.addi %iota3A_55, %add3A_57 : vector<16xi32>
      %gather3A_59 = tpu.vector_load_idx %arg5[%add3A_58, %broadcast_in_dim3A_12] : memref<128x200xi32, #tpu.memory_space<vmem>>[vector<16xi32>, vector<16xi32>], vector<16xi32>,
      %swap3A_60 = arith.constant 0 : i32
      %swap3A_61 = arith.index_cast %swap3A_60 : i32 to index
      %swap3A_62 = arith.constant 80 : index
      %swap3A_63 = tpu.vector_load %arg6[%swap3A_61, %swap3A_62] {strides = array<i32>} : memref<8x128xi32, #tpu.memory_space<vmem>>, vector<16xi32>,
      tpu.vector_store %arg6[%swap3A_61, %swap3A_62], %gather3A_59 {strides = array<i32>} : memref<8x128xi32, #tpu.memory_space<vmem>>, vector<16xi32>,
      %iota3A_64 = tpu.iota {dimensions = array<i32: 0>} : vector<16xi32>
      %add3A_65 = arith.constant 96 : i32
      %add3A_66 = vector.broadcast %add3A_65 : i32 to vector<16xi32>
      %add3A_67 = arith.addi %iota3A_64, %add3A_66 : vector<16xi32>
      %gather3A_68 = tpu.vector_load_idx %arg5[%add3A_67, %broadcast_in_dim3A_12] : memref<128x200xi32, #tpu.memory_space<vmem>>[vector<16xi32>, vector<16xi32>], vector<16xi32>,
      %swap3A_69 = arith.constant 0 : i32
      %swap3A_70 = arith.index_cast %swap3A_69 : i32 to index
      %swap3A_71 = arith.constant 96 : index
      %swap3A_72 = tpu.vector_load %arg6[%swap3A_70, %swap3A_71] {strides = array<i32>} : memref<8x128xi32, #tpu.memory_space<vmem>>, vector<16xi32>,
      tpu.vector_store %arg6[%swap3A_70, %swap3A_71], %gather3A_68 {strides = array<i32>} : memref<8x128xi32, #tpu.memory_space<vmem>>, vector<16xi32>,
      %iota3A_73 = tpu.iota {dimensions = array<i32: 0>} : vector<16xi32>
      %add3A_74 = arith.constant 112 : i32
      %add3A_75 = vector.broadcast %add3A_74 : i32 to vector<16xi32>
      %add3A_76 = arith.addi %iota3A_73, %add3A_75 : vector<16xi32>
      %gather3A_77 = tpu.vector_load_idx %arg5[%add3A_76, %broadcast_in_dim3A_12] : memref<128x200xi32, #tpu.memory_space<vmem>>[vector<16xi32>, vector<16xi32>], vector<16xi32>,
      %swap3A_78 = arith.constant 0 : i32
      %swap3A_79 = arith.index_cast %swap3A_78 : i32 to index
      %swap3A_80 = arith.constant 112 : index
      %swap3A_81 = tpu.vector_load %arg6[%swap3A_79, %swap3A_80] {strides = array<i32>} : memref<8x128xi32, #tpu.memory_space<vmem>>, vector<16xi32>,
      tpu.vector_store %arg6[%swap3A_79, %swap3A_80], %gather3A_77 {strides = array<i32>} : memref<8x128xi32, #tpu.memory_space<vmem>>, vector<16xi32>,
      %dma_start3A = arith.constant 0 : i32
      %dma_start3A_82 = arith.constant 0 : i32
      %dma_start3A_83 = tpu.memref_slice %arg6[%dma_start3A, %dma_start3A_82] : memref<8x128xi32, #tpu.memory_space<vmem>> -> memref<1x128xi32, #tpu.memory_space<vmem>>
      %dma_start3A_84 = tpu.memref_squeeze %dma_start3A_83 : memref<1x128xi32, #tpu.memory_space<vmem>> -> memref<128xi32, #tpu.memory_space<vmem>>
      %dma_start3A_85 = arith.constant 0 : i32
      %dma_start3A_86 = arith.constant 0 : i32
      %dma_start3A_87 = tpu.memref_slice %arg3[%dma_start3A_85, %dma_start3A_86] : memref<1000000x64xf32, #tpu.memory_space<hbm>> -> memref<1000000x64xf32, #tpu.memory_space<hbm>>
      tpu.enqueue_indirect_dma source(%dma_start3A_87 : memref<1000000x64xf32, #tpu.memory_space<hbm>>) target(%arg7 : memref<128x64xf32, #tpu.memory_space<vmem>>) offsets(%dma_start3A_84 : memref<128xi32, #tpu.memory_space<vmem>>) semaphore(%arg8 : memref<!tpu.dma_semaphore, #tpu.memory_space<semaphore_mem>>)
      %dma_wait3A = arith.constant 0 : i32
      %dma_wait3A_88 = arith.constant 0 : i32
      %dma_wait3A_89 = tpu.memref_slice %arg6[%dma_wait3A, %dma_wait3A_88] : memref<8x128xi32, #tpu.memory_space<vmem>> -> memref<1x128xi32, #tpu.memory_space<vmem>>
      %dma_wait3A_90 = tpu.memref_squeeze %dma_wait3A_89 : memref<1x128xi32, #tpu.memory_space<vmem>> -> memref<128xi32, #tpu.memory_space<vmem>>
      %dma_wait3A_91 = arith.constant 0 : i32
      %dma_wait3A_92 = arith.constant 0 : i32
      %dma_wait3A_93 = tpu.memref_slice %arg3[%dma_wait3A_91, %dma_wait3A_92] : memref<1000000x64xf32, #tpu.memory_space<hbm>> -> memref<1000000x64xf32, #tpu.memory_space<hbm>>
      tpu.wait_indirect_dma semaphore(%arg8 : memref<!tpu.dma_semaphore, #tpu.memory_space<semaphore_mem>>) src(%dma_wait3A_93 : memref<1000000x64xf32, #tpu.memory_space<hbm>>) dst(%arg7 : memref<128x64xf32, #tpu.memory_space<vmem>>)
      %broadcast_in_dim3A_94 = arith.constant 1 : i32
      %broadcast_in_dim3A_95 = vector.broadcast %broadcast_in_dim3A_94 : i32 to vector<16xi32>
      %iota3A_96 = tpu.iota {dimensions = array<i32: 0>} : vector<16xi32>
      %add3A_97 = arith.constant 0 : i32
      %add3A_98 = vector.broadcast %add3A_97 : i32 to vector<16xi32>
      %add3A_99 = arith.addi %iota3A_96, %add3A_98 : vector<16xi32>
      %gather3A_100 = tpu.vector_load_idx %arg5[%add3A_99, %broadcast_in_dim3A_95] : memref<128x200xi32, #tpu.memory_space<vmem>>[vector<16xi32>, vector<16xi32>], vector<16xi32>,
      %swap3A_101 = arith.constant 1 : i32
      %swap3A_102 = arith.index_cast %swap3A_101 : i32 to index
      %swap3A_103 = arith.constant 0 : index
      %swap3A_104 = tpu.vector_load %arg6[%swap3A_102, %swap3A_103] {strides = array<i32>} : memref<8x128xi32, #tpu.memory_space<vmem>>, vector<16xi32>,
      tpu.vector_store %arg6[%swap3A_102, %swap3A_103], %gather3A_100 {strides = array<i32>} : memref<8x128xi32, #tpu.memory_space<vmem>>, vector<16xi32>,
      %iota3A_105 = tpu.iota {dimensions = array<i32: 0>} : vector<16xi32>
      %add3A_106 = arith.constant 16 : i32
      %add3A_107 = vector.broadcast %add3A_106 : i32 to vector<16xi32>
      %add3A_108 = arith.addi %iota3A_105, %add3A_107 : vector<16xi32>
      %gather3A_109 = tpu.vector_load_idx %arg5[%add3A_108, %broadcast_in_dim3A_95] : memref<128x200xi32, #tpu.memory_space<vmem>>[vector<16xi32>, vector<16xi32>], vector<16xi32>,
      %swap3A_110 = arith.constant 1 : i32
      %swap3A_111 = arith.index_cast %swap3A_110 : i32 to index
      %swap3A_112 = arith.constant 16 : index
      %swap3A_113 = tpu.vector_load %arg6[%swap3A_111, %swap3A_112] {strides = array<i32>} : memref<8x128xi32, #tpu.memory_space<vmem>>, vector<16xi32>,
      tpu.vector_store %arg6[%swap3A_111, %swap3A_112], %gather3A_109 {strides = array<i32>} : memref<8x128xi32, #tpu.memory_space<vmem>>, vector<16xi32>,
      %iota3A_114 = tpu.iota {dimensions = array<i32: 0>} : vector<16xi32>
      %add3A_115 = arith.constant 32 : i32
      %add3A_116 = vector.broadcast %add3A_115 : i32 to vector<16xi32>
      %add3A_117 = arith.addi %iota3A_114, %add3A_116 : vector<16xi32>
      %gather3A_118 = tpu.vector_load_idx %arg5[%add3A_117, %broadcast_in_dim3A_95] : memref<128x200xi32, #tpu.memory_space<vmem>>[vector<16xi32>, vector<16xi32>], vector<16xi32>,
      %swap3A_119 = arith.constant 1 : i32
      %swap3A_120 = arith.index_cast %swap3A_119 : i32 to index
      %swap3A_121 = arith.constant 32 : index
      %swap3A_122 = tpu.vector_load %arg6[%swap3A_120, %swap3A_121] {strides = array<i32>} : memref<8x128xi32, #tpu.memory_space<vmem>>, vector<16xi32>,
      tpu.vector_store %arg6[%swap3A_120, %swap3A_121], %gather3A_118 {strides = array<i32>} : memref<8x128xi32, #tpu.memory_space<vmem>>, vector<16xi32>,
      %iota3A_123 = tpu.iota {dimensions = array<i32: 0>} : vector<16xi32>
      %add3A_124 = arith.constant 48 : i32
      %add3A_125 = vector.broadcast %add3A_124 : i32 to vector<16xi32>
      %add3A_126 = arith.addi %iota3A_123, %add3A_125 : vector<16xi32>
      %gather3A_127 = tpu.vector_load_idx %arg5[%add3A_126, %broadcast_in_dim3A_95] : memref<128x200xi32, #tpu.memory_space<vmem>>[vector<16xi32>, vector<16xi32>], vector<16xi32>,
      %swap3A_128 = arith.constant 1 : i32
      %swap3A_129 = arith.index_cast %swap3A_128 : i32 to index
      %swap3A_130 = arith.constant 48 : index
      %swap3A_131 = tpu.vector_load %arg6[%swap3A_129, %swap3A_130] {strides = array<i32>} : memref<8x128xi32, #tpu.memory_space<vmem>>, vector<16xi32>,
      tpu.vector_store %arg6[%swap3A_129, %swap3A_130], %gather3A_127 {strides = array<i32>} : memref<8x128xi32, #tpu.memory_space<vmem>>, vector<16xi32>,
      %iota3A_132 = tpu.iota {dimensions = array<i32: 0>} : vector<16xi32>
      %add3A_133 = arith.constant 64 : i32
      %add3A_134 = vector.broadcast %add3A_133 : i32 to vector<16xi32>
      %add3A_135 = arith.addi %iota3A_132, %add3A_134 : vector<16xi32>
      %gather3A_136 = tpu.vector_load_idx %arg5[%add3A_135, %broadcast_in_dim3A_95] : memref<128x200xi32, #tpu.memory_space<vmem>>[vector<16xi32>, vector<16xi32>], vector<16xi32>,
      %swap3A_137 = arith.constant 1 : i32
      %swap3A_138 = arith.index_cast %swap3A_137 : i32 to index
      %swap3A_139 = arith.constant 64 : index
      %swap3A_140 = tpu.vector_load %arg6[%swap3A_138, %swap3A_139] {strides = array<i32>} : memref<8x128xi32, #tpu.memory_space<vmem>>, vector<16xi32>,
      tpu.vector_store %arg6[%swap3A_138, %swap3A_139], %gather3A_136 {strides = array<i32>} : memref<8x128xi32, #tpu.memory_space<vmem>>, vector<16xi32>,
      %iota3A_141 = tpu.iota {dimensions = array<i32: 0>} : vector<16xi32>
      %add3A_142 = arith.constant 80 : i32
      %add3A_143 = vector.broadcast %add3A_142 : i32 to vector<16xi32>
      %add3A_144 = arith.addi %iota3A_141, %add3A_143 : vector<16xi32>
      %gather3A_145 = tpu.vector_load_idx %arg5[%add3A_144, %broadcast_in_dim3A_95] : memref<128x200xi32, #tpu.memory_space<vmem>>[vector<16xi32>, vector<16xi32>], vector<16xi32>,
      %swap3A_146 = arith.constant 1 : i32
      %swap3A_147 = arith.index_cast %swap3A_146 : i32 to index
      %swap3A_148 = arith.constant 80 : index
      %swap3A_149 = tpu.vector_load %arg6[%swap3A_147, %swap3A_148] {strides = array<i32>} : memref<8x128xi32, #tpu.memory_space<vmem>>, vector<16xi32>,
      tpu.vector_store %arg6[%swap3A_147, %swap3A_148], %gather3A_145 {strides = array<i32>} : memref<8x128xi32, #tpu.memory_space<vmem>>, vector<16xi32>,
      %iota3A_150 = tpu.iota {dimensions = array<i32: 0>} : vector<16xi32>
      %add3A_151 = arith.constant 96 : i32
      %add3A_152 = vector.broadcast %add3A_151 : i32 to vector<16xi32>
      %add3A_153 = arith.addi %iota3A_150, %add3A_152 : vector<16xi32>
      %gather3A_154 = tpu.vector_load_idx %arg5[%add3A_153, %broadcast_in_dim3A_95] : memref<128x200xi32, #tpu.memory_space<vmem>>[vector<16xi32>, vector<16xi32>], vector<16xi32>,
      %swap3A_155 = arith.constant 1 : i32
      %swap3A_156 = arith.index_cast %swap3A_155 : i32 to index
      %swap3A_157 = arith.constant 96 : index
      %swap3A_158 = tpu.vector_load %arg6[%swap3A_156, %swap3A_157] {strides = array<i32>} : memref<8x128xi32, #tpu.memory_space<vmem>>, vector<16xi32>,
      tpu.vector_store %arg6[%swap3A_156, %swap3A_157], %gather3A_154 {strides = array<i32>} : memref<8x128xi32, #tpu.memory_space<vmem>>, vector<16xi32>,
      %iota3A_159 = tpu.iota {dimensions = array<i32: 0>} : vector<16xi32>
      %add3A_160 = arith.constant 112 : i32
      %add3A_161 = vector.broadcast %add3A_160 : i32 to vector<16xi32>
      %add3A_162 = arith.addi %iota3A_159, %add3A_161 : vector<16xi32>
      %gather3A_163 = tpu.vector_load_idx %arg5[%add3A_162, %broadcast_in_dim3A_95] : memref<128x200xi32, #tpu.memory_space<vmem>>[vector<16xi32>, vector<16xi32>], vector<16xi32>,
      %swap3A_164 = arith.constant 1 : i32
      %swap3A_165 = arith.index_cast %swap3A_164 : i32 to index
      %swap3A_166 = arith.constant 112 : index
      %swap3A_167 = tpu.vector_load %arg6[%swap3A_165, %swap3A_166] {strides = array<i32>} : memref<8x128xi32, #tpu.memory_space<vmem>>, vector<16xi32>,
      tpu.vector_store %arg6[%swap3A_165, %swap3A_166], %gather3A_163 {strides = array<i32>} : memref<8x128xi32, #tpu.memory_space<vmem>>, vector<16xi32>,
      %dma_start3A_168 = arith.constant 1 : i32
      %dma_start3A_169 = arith.constant 0 : i32
      %dma_start3A_170 = tpu.memref_slice %arg6[%dma_start3A_168, %dma_start3A_169] : memref<8x128xi32, #tpu.memory_space<vmem>> -> memref<1x128xi32, #tpu.memory_space<vmem>>
      %dma_start3A_171 = tpu.memref_squeeze %dma_start3A_170 : memref<1x128xi32, #tpu.memory_space<vmem>> -> memref<128xi32, #tpu.memory_space<vmem>>
      %dma_start3A_172 = arith.constant 0 : i32
      %dma_start3A_173 = arith.constant 0 : i32
      %dma_start3A_174 = tpu.memref_slice %arg3[%dma_start3A_172, %dma_start3A_173] : memref<1000000x64xf32, #tpu.memory_space<hbm>> -> memref<1000000x64xf32, #tpu.memory_space<hbm>>
      tpu.enqueue_indirect_dma source(%dma_start3A_174 : memref<1000000x64xf32, #tpu.memory_space<hbm>>) target(%arg7 : memref<128x64xf32, #tpu.memory_space<vmem>>) offsets(%dma_start3A_171 : memref<128xi32, #tpu.memory_space<vmem>>) semaphore(%arg8 : memref<!tpu.dma_semaphore, #tpu.memory_space<semaphore_mem>>) {add = true}
      %broadcast_in_dim3A_175 = arith.constant 2 : i32
      %broadcast_in_dim3A_176 = vector.broadcast %broadcast_in_dim3A_175 : i32 to vector<16xi32>
      %iota3A_177 = tpu.iota {dimensions = array<i32: 0>} : vector<16xi32>
      %add3A_178 = arith.constant 0 : i32
      %add3A_179 = vector.broadcast %add3A_178 : i32 to vector<16xi32>
      %add3A_180 = arith.addi %iota3A_177, %add3A_179 : vector<16xi32>
      %gather3A_181 = tpu.vector_load_idx %arg5[%add3A_180, %broadcast_in_dim3A_176] : memref<128x200xi32, #tpu.memory_space<vmem>>[vector<16xi32>, vector<16xi32>], vector<16xi32>,
      %swap3A_182 = arith.constant 2 : i32
      %swap3A_183 = arith.index_cast %swap3A_182 : i32 to index
      %swap3A_184 = arith.constant 0 : index
      %swap3A_185 = tpu.vector_load %arg6[%swap3A_183, %swap3A_184] {strides = array<i32>} : memref<8x128xi32, #tpu.memory_space<vmem>>, vector<16xi32>,
      tpu.vector_store %arg6[%swap3A_183, %swap3A_184], %gather3A_181 {strides = array<i32>} : memref<8x128xi32, #tpu.memory_space<vmem>>, vector<16xi32>,
      %iota3A_186 = tpu.iota {dimensions = array<i32: 0>} : vector<16xi32>
      %add3A_187 = arith.constant 16 : i32
      %add3A_188 = vector.broadcast %add3A_187 : i32 to vector<16xi32>
      %add3A_189 = arith.addi %iota3A_186, %add3A_188 : vector<16xi32>
      %gather3A_190 = tpu.vector_load_idx %arg5[%add3A_189, %broadcast_in_dim3A_176] : memref<128x200xi32, #tpu.memory_space<vmem>>[vector<16xi32>, vector<16xi32>], vector<16xi32>,
      %swap3A_191 = arith.constant 2 : i32
      %swap3A_192 = arith.index_cast %swap3A_191 : i32 to index
      %swap3A_193 = arith.constant 16 : index
      %swap3A_194 = tpu.vector_load %arg6[%swap3A_192, %swap3A_193] {strides = array<i32>} : memref<8x128xi32, #tpu.memory_space<vmem>>, vector<16xi32>,
      tpu.vector_store %arg6[%swap3A_192, %swap3A_193], %gather3A_190 {strides = array<i32>} : memref<8x128xi32, #tpu.memory_space<vmem>>, vector<16xi32>,
      %iota3A_195 = tpu.iota {dimensions = array<i32: 0>} : vector<16xi32>
      %add3A_196 = arith.constant 32 : i32
      %add3A_197 = vector.broadcast %add3A_196 : i32 to vector<16xi32>
      %add3A_198 = arith.addi %iota3A_195, %add3A_197 : vector<16xi32>
      %gather3A_199 = tpu.vector_load_idx %arg5[%add3A_198, %broadcast_in_dim3A_176] : memref<128x200xi32, #tpu.memory_space<vmem>>[vector<16xi32>, vector<16xi32>], vector<16xi32>,
      %swap3A_200 = arith.constant 2 : i32
      %swap3A_201 = arith.index_cast %swap3A_200 : i32 to index
      %swap3A_202 = arith.constant 32 : index
      %swap3A_203 = tpu.vector_load %arg6[%swap3A_201, %swap3A_202] {strides = array<i32>} : memref<8x128xi32, #tpu.memory_space<vmem>>, vector<16xi32>,
      tpu.vector_store %arg6[%swap3A_201, %swap3A_202], %gather3A_199 {strides = array<i32>} : memref<8x128xi32, #tpu.memory_space<vmem>>, vector<16xi32>,
      %iota3A_204 = tpu.iota {dimensions = array<i32: 0>} : vector<16xi32>
      %add3A_205 = arith.constant 48 : i32
      %add3A_206 = vector.broadcast %add3A_205 : i32 to vector<16xi32>
      %add3A_207 = arith.addi %iota3A_204, %add3A_206 : vector<16xi32>
      %gather3A_208 = tpu.vector_load_idx %arg5[%add3A_207, %broadcast_in_dim3A_176] : memref<128x200xi32, #tpu.memory_space<vmem>>[vector<16xi32>, vector<16xi32>], vector<16xi32>,
      %swap3A_209 = arith.constant 2 : i32
      %swap3A_210 = arith.index_cast %swap3A_209 : i32 to index
      %swap3A_211 = arith.constant 48 : index
      %swap3A_212 = tpu.vector_load %arg6[%swap3A_210, %swap3A_211] {strides = array<i32>} : memref<8x128xi32, #tpu.memory_space<vmem>>, vector<16xi32>,
      tpu.vector_store %arg6[%swap3A_210, %swap3A_211], %gather3A_208 {strides = array<i32>} : memref<8x128xi32, #tpu.memory_space<vmem>>, vector<16xi32>,
      %iota3A_213 = tpu.iota {dimensions = array<i32: 0>} : vector<16xi32>
      %add3A_214 = arith.constant 64 : i32
      %add3A_215 = vector.broadcast %add3A_214 : i32 to vector<16xi32>
      %add3A_216 = arith.addi %iota3A_213, %add3A_215 : vector<16xi32>
      %gather3A_217 = tpu.vector_load_idx %arg5[%add3A_216, %broadcast_in_dim3A_176] : memref<128x200xi32, #tpu.memory_space<vmem>>[vector<16xi32>, vector<16xi32>], vector<16xi32>,
      %swap3A_218 = arith.constant 2 : i32
      %swap3A_219 = arith.index_cast %swap3A_218 : i32 to index
      %swap3A_220 = arith.constant 64 : index
      %swap3A_221 = tpu.vector_load %arg6[%swap3A_219, %swap3A_220] {strides = array<i32>} : memref<8x128xi32, #tpu.memory_space<vmem>>, vector<16xi32>,
      tpu.vector_store %arg6[%swap3A_219, %swap3A_220], %gather3A_217 {strides = array<i32>} : memref<8x128xi32, #tpu.memory_space<vmem>>, vector<16xi32>,
      %iota3A_222 = tpu.iota {dimensions = array<i32: 0>} : vector<16xi32>
      %add3A_223 = arith.constant 80 : i32
      %add3A_224 = vector.broadcast %add3A_223 : i32 to vector<16xi32>
      %add3A_225 = arith.addi %iota3A_222, %add3A_224 : vector<16xi32>
      %gather3A_226 = tpu.vector_load_idx %arg5[%add3A_225, %broadcast_in_dim3A_176] : memref<128x200xi32, #tpu.memory_space<vmem>>[vector<16xi32>, vector<16xi32>], vector<16xi32>,
      %swap3A_227 = arith.constant 2 : i32
      %swap3A_228 = arith.index_cast %swap3A_227 : i32 to index
      %swap3A_229 = arith.constant 80 : index
      %swap3A_230 = tpu.vector_load %arg6[%swap3A_228, %swap3A_229] {strides = array<i32>} : memref<8x128xi32, #tpu.memory_space<vmem>>, vector<16xi32>,
      tpu.vector_store %arg6[%swap3A_228, %swap3A_229], %gather3A_226 {strides = array<i32>} : memref<8x128xi32, #tpu.memory_space<vmem>>, vector<16xi32>,
      %iota3A_231 = tpu.iota {dimensions = array<i32: 0>} : vector<16xi32>
      %add3A_232 = arith.constant 96 : i32
      %add3A_233 = vector.broadcast %add3A_232 : i32 to vector<16xi32>
      %add3A_234 = arith.addi %iota3A_231, %add3A_233 : vector<16xi32>
      %gather3A_235 = tpu.vector_load_idx %arg5[%add3A_234, %broadcast_in_dim3A_176] : memref<128x200xi32, #tpu.memory_space<vmem>>[vector<16xi32>, vector<16xi32>], vector<16xi32>,
      %swap3A_236 = arith.constant 2 : i32
      %swap3A_237 = arith.index_cast %swap3A_236 : i32 to index
      %swap3A_238 = arith.constant 96 : index
      %swap3A_239 = tpu.vector_load %arg6[%swap3A_237, %swap3A_238] {strides = array<i32>} : memref<8x128xi32, #tpu.memory_space<vmem>>, vector<16xi32>,
      tpu.vector_store %arg6[%swap3A_237, %swap3A_238], %gather3A_235 {strides = array<i32>} : memref<8x128xi32, #tpu.memory_space<vmem>>, vector<16xi32>,
      %iota3A_240 = tpu.iota {dimensions = array<i32: 0>} : vector<16xi32>
      %add3A_241 = arith.constant 112 : i32
      %add3A_242 = vector.broadcast %add3A_241 : i32 to vector<16xi32>
      %add3A_243 = arith.addi %iota3A_240, %add3A_242 : vector<16xi32>
      %gather3A_244 = tpu.vector_load_idx %arg5[%add3A_243, %broadcast_in_dim3A_176] : memref<128x200xi32, #tpu.memory_space<vmem>>[vector<16xi32>, vector<16xi32>], vector<16xi32>,
      %swap3A_245 = arith.constant 2 : i32
      %swap3A_246 = arith.index_cast %swap3A_245 : i32 to index
      %swap3A_247 = arith.constant 112 : index
      %swap3A_248 = tpu.vector_load %arg6[%swap3A_246, %swap3A_247] {strides = array<i32>} : memref<8x128xi32, #tpu.memory_space<vmem>>, vector<16xi32>,
      tpu.vector_store %arg6[%swap3A_246, %swap3A_247], %gather3A_244 {strides = array<i32>} : memref<8x128xi32, #tpu.memory_space<vmem>>, vector<16xi32>,
      %dma_start3A_249 = arith.constant 2 : i32
      %dma_start3A_250 = arith.constant 0 : i32
      %dma_start3A_251 = tpu.memref_slice %arg6[%dma_start3A_249, %dma_start3A_250] : memref<8x128xi32, #tpu.memory_space<vmem>> -> memref<1x128xi32, #tpu.memory_space<vmem>>
      %dma_start3A_252 = tpu.memref_squeeze %dma_start3A_251 : memref<1x128xi32, #tpu.memory_space<vmem>> -> memref<128xi32, #tpu.memory_space<vmem>>
      %dma_start3A_253 = arith.constant 0 : i32
      %dma_start3A_254 = arith.constant 0 : i32
      %dma_start3A_255 = tpu.memref_slice %arg3[%dma_start3A_253, %dma_start3A_254] : memref<1000000x64xf32, #tpu.memory_space<hbm>> -> memref<1000000x64xf32, #tpu.memory_space<hbm>>
      tpu.enqueue_indirect_dma source(%dma_start3A_255 : memref<1000000x64xf32, #tpu.memory_space<hbm>>) target(%arg7 : memref<128x64xf32, #tpu.memory_space<vmem>>) offsets(%dma_start3A_252 : memref<128xi32, #tpu.memory_space<vmem>>) semaphore(%arg8 : memref<!tpu.dma_semaphore, #tpu.memory_space<semaphore_mem>>) {add = true}
      %broadcast_in_dim3A_256 = arith.constant 3 : i32
      %broadcast_in_dim3A_257 = vector.broadcast %broadcast_in_dim3A_256 : i32 to vector<16xi32>
      %iota3A_258 = tpu.iota {dimensions = array<i32: 0>} : vector<16xi32>
      %add3A_259 = arith.constant 0 : i32
      %add3A_260 = vector.broadcast %add3A_259 : i32 to vector<16xi32>
      %add3A_261 = arith.addi %iota3A_258, %add3A_260 : vector<16xi32>
      %gather3A_262 = tpu.vector_load_idx %arg5[%add3A_261, %broadcast_in_dim3A_257] : memref<128x200xi32, #tpu.memory_space<vmem>>[vector<16xi32>, vector<16xi32>], vector<16xi32>,
      %swap3A_263 = arith.constant 3 : i32
      %swap3A_264 = arith.index_cast %swap3A_263 : i32 to index
      %swap3A_265 = arith.constant 0 : index
      %swap3A_266 = tpu.vector_load %arg6[%swap3A_264, %swap3A_265] {strides = array<i32>} : memref<8x128xi32, #tpu.memory_space<vmem>>, vector<16xi32>,
      tpu.vector_store %arg6[%swap3A_264, %swap3A_265], %gather3A_262 {strides = array<i32>} : memref<8x128xi32, #tpu.memory_space<vmem>>, vector<16xi32>,
      %iota3A_267 = tpu.iota {dimensions = array<i32: 0>} : vector<16xi32>
      %add3A_268 = arith.constant 16 : i32
      %add3A_269 = vector.broadcast %add3A_268 : i32 to vector<16xi32>
      %add3A_270 = arith.addi %iota3A_267, %add3A_269 : vector<16xi32>
      %gather3A_271 = tpu.vector_load_idx %arg5[%add3A_270, %broadcast_in_dim3A_257] : memref<128x200xi32, #tpu.memory_space<vmem>>[vector<16xi32>, vector<16xi32>], vector<16xi32>,
      %swap3A_272 = arith.constant 3 : i32
      %swap3A_273 = arith.index_cast %swap3A_272 : i32 to index
      %swap3A_274 = arith.constant 16 : index
      %swap3A_275 = tpu.vector_load %arg6[%swap3A_273, %swap3A_274] {strides = array<i32>} : memref<8x128xi32, #tpu.memory_space<vmem>>, vector<16xi32>,
      tpu.vector_store %arg6[%swap3A_273, %swap3A_274], %gather3A_271 {strides = array<i32>} : memref<8x128xi32, #tpu.memory_space<vmem>>, vector<16xi32>,
      %iota3A_276 = tpu.iota {dimensions = array<i32: 0>} : vector<16xi32>
      %add3A_277 = arith.constant 32 : i32
      %add3A_278 = vector.broadcast %add3A_277 : i32 to vector<16xi32>
      %add3A_279 = arith.addi %iota3A_276, %add3A_278 : vector<16xi32>
      %gather3A_280 = tpu.vector_load_idx %arg5[%add3A_279, %broadcast_in_dim3A_257] : memref<128x200xi32, #tpu.memory_space<vmem>>[vector<16xi32>, vector<16xi32>], vector<16xi32>,
      %swap3A_281 = arith.constant 3 : i32
      %swap3A_282 = arith.index_cast %swap3A_281 : i32 to index
      %swap3A_283 = arith.constant 32 : index
      %swap3A_284 = tpu.vector_load %arg6[%swap3A_282, %swap3A_283] {strides = array<i32>} : memref<8x128xi32, #tpu.memory_space<vmem>>, vector<16xi32>,
      tpu.vector_store %arg6[%swap3A_282, %swap3A_283], %gather3A_280 {strides = array<i32>} : memref<8x128xi32, #tpu.memory_space<vmem>>, vector<16xi32>,
      %iota3A_285 = tpu.iota {dimensions = array<i32: 0>} : vector<16xi32>
      %add3A_286 = arith.constant 48 : i32
      %add3A_287 = vector.broadcast %add3A_286 : i32 to vector<16xi32>
      %add3A_288 = arith.addi %iota3A_285, %add3A_287 : vector<16xi32>
      %gather3A_289 = tpu.vector_load_idx %arg5[%add3A_288, %broadcast_in_dim3A_257] : memref<128x200xi32, #tpu.memory_space<vmem>>[vector<16xi32>, vector<16xi32>], vector<16xi32>,
      %swap3A_290 = arith.constant 3 : i32
      %swap3A_291 = arith.index_cast %swap3A_290 : i32 to index
      %swap3A_292 = arith.constant 48 : index
      %swap3A_293 = tpu.vector_load %arg6[%swap3A_291, %swap3A_292] {strides = array<i32>} : memref<8x128xi32, #tpu.memory_space<vmem>>, vector<16xi32>,
      tpu.vector_store %arg6[%swap3A_291, %swap3A_292], %gather3A_289 {strides = array<i32>} : memref<8x128xi32, #tpu.memory_space<vmem>>, vector<16xi32>,
      %iota3A_294 = tpu.iota {dimensions = array<i32: 0>} : vector<16xi32>
      %add3A_295 = arith.constant 64 : i32
      %add3A_296 = vector.broadcast %add3A_295 : i32 to vector<16xi32>
      %add3A_297 = arith.addi %iota3A_294, %add3A_296 : vector<16xi32>
      %gather3A_298 = tpu.vector_load_idx %arg5[%add3A_297, %broadcast_in_dim3A_257] : memref<128x200xi32, #tpu.memory_space<vmem>>[vector<16xi32>, vector<16xi32>], vector<16xi32>,
      %swap3A_299 = arith.constant 3 : i32
      %swap3A_300 = arith.index_cast %swap3A_299 : i32 to index
      %swap3A_301 = arith.constant 64 : index
      %swap3A_302 = tpu.vector_load %arg6[%swap3A_300, %swap3A_301] {strides = array<i32>} : memref<8x128xi32, #tpu.memory_space<vmem>>, vector<16xi32>,
      tpu.vector_store %arg6[%swap3A_300, %swap3A_301], %gather3A_298 {strides = array<i32>} : memref<8x128xi32, #tpu.memory_space<vmem>>, vector<16xi32>,
      %iota3A_303 = tpu.iota {dimensions = array<i32: 0>} : vector<16xi32>
      %add3A_304 = arith.constant 80 : i32
      %add3A_305 = vector.broadcast %add3A_304 : i32 to vector<16xi32>
      %add3A_306 = arith.addi %iota3A_303, %add3A_305 : vector<16xi32>
      %gather3A_307 = tpu.vector_load_idx %arg5[%add3A_306, %broadcast_in_dim3A_257] : memref<128x200xi32, #tpu.memory_space<vmem>>[vector<16xi32>, vector<16xi32>], vector<16xi32>,
      %swap3A_308 = arith.constant 3 : i32
      %swap3A_309 = arith.index_cast %swap3A_308 : i32 to index
      %swap3A_310 = arith.constant 80 : index
      %swap3A_311 = tpu.vector_load %arg6[%swap3A_309, %swap3A_310] {strides = array<i32>} : memref<8x128xi32, #tpu.memory_space<vmem>>, vector<16xi32>,
      tpu.vector_store %arg6[%swap3A_309, %swap3A_310], %gather3A_307 {strides = array<i32>} : memref<8x128xi32, #tpu.memory_space<vmem>>, vector<16xi32>,
      %iota3A_312 = tpu.iota {dimensions = array<i32: 0>} : vector<16xi32>
      %add3A_313 = arith.constant 96 : i32
      %add3A_314 = vector.broadcast %add3A_313 : i32 to vector<16xi32>
      %add3A_315 = arith.addi %iota3A_312, %add3A_314 : vector<16xi32>
      %gather3A_316 = tpu.vector_load_idx %arg5[%add3A_315, %broadcast_in_dim3A_257] : memref<128x200xi32, #tpu.memory_space<vmem>>[vector<16xi32>, vector<16xi32>], vector<16xi32>,
      %swap3A_317 = arith.constant 3 : i32
      %swap3A_318 = arith.index_cast %swap3A_317 : i32 to index
      %swap3A_319 = arith.constant 96 : index
      %swap3A_320 = tpu.vector_load %arg6[%swap3A_318, %swap3A_319] {strides = array<i32>} : memref<8x128xi32, #tpu.memory_space<vmem>>, vector<16xi32>,
      tpu.vector_store %arg6[%swap3A_318, %swap3A_319], %gather3A_316 {strides = array<i32>} : memref<8x128xi32, #tpu.memory_space<vmem>>, vector<16xi32>,
      %iota3A_321 = tpu.iota {dimensions = array<i32: 0>} : vector<16xi32>
      %add3A_322 = arith.constant 112 : i32
      %add3A_323 = vector.broadcast %add3A_322 : i32 to vector<16xi32>
      %add3A_324 = arith.addi %iota3A_321, %add3A_323 : vector<16xi32>
      %gather3A_325 = tpu.vector_load_idx %arg5[%add3A_324, %broadcast_in_dim3A_257] : memref<128x200xi32, #tpu.memory_space<vmem>>[vector<16xi32>, vector<16xi32>], vector<16xi32>,
      %swap3A_326 = arith.constant 3 : i32
      %swap3A_327 = arith.index_cast %swap3A_326 : i32 to index
      %swap3A_328 = arith.constant 112 : index
      %swap3A_329 = tpu.vector_load %arg6[%swap3A_327, %swap3A_328] {strides = array<i32>} : memref<8x128xi32, #tpu.memory_space<vmem>>, vector<16xi32>,
      tpu.vector_store %arg6[%swap3A_327, %swap3A_328], %gather3A_325 {strides = array<i32>} : memref<8x128xi32, #tpu.memory_space<vmem>>, vector<16xi32>,
      %dma_start3A_330 = arith.constant 3 : i32
      %dma_start3A_331 = arith.constant 0 : i32
      %dma_start3A_332 = tpu.memref_slice %arg6[%dma_start3A_330, %dma_start3A_331] : memref<8x128xi32, #tpu.memory_space<vmem>> -> memref<1x128xi32, #tpu.memory_space<vmem>>
      %dma_start3A_333 = tpu.memref_squeeze %dma_start3A_332 : memref<1x128xi32, #tpu.memory_space<vmem>> -> memref<128xi32, #tpu.memory_space<vmem>>
      %dma_start3A_334 = arith.constant 0 : i32
      %dma_start3A_335 = arith.constant 0 : i32
      %dma_start3A_336 = tpu.memref_slice %arg3[%dma_start3A_334, %dma_start3A_335] : memref<1000000x64xf32, #tpu.memory_space<hbm>> -> memref<1000000x64xf32, #tpu.memory_space<hbm>>
      tpu.enqueue_indirect_dma source(%dma_start3A_336 : memref<1000000x64xf32, #tpu.memory_space<hbm>>) target(%arg7 : memref<128x64xf32, #tpu.memory_space<vmem>>) offsets(%dma_start3A_333 : memref<128xi32, #tpu.memory_space<vmem>>) semaphore(%arg8 : memref<!tpu.dma_semaphore, #tpu.memory_space<semaphore_mem>>) {add = true}
      %broadcast_in_dim3A_337 = arith.constant 4 : i32
      %broadcast_in_dim3A_338 = vector.broadcast %broadcast_in_dim3A_337 : i32 to vector<16xi32>
      %iota3A_339 = tpu.iota {dimensions = array<i32: 0>} : vector<16xi32>
      %add3A_340 = arith.constant 0 : i32
      %add3A_341 = vector.broadcast %add3A_340 : i32 to vector<16xi32>
      %add3A_342 = arith.addi %iota3A_339, %add3A_341 : vector<16xi32>
      %gather3A_343 = tpu.vector_load_idx %arg5[%add3A_342, %broadcast_in_dim3A_338] : memref<128x200xi32, #tpu.memory_space<vmem>>[vector<16xi32>, vector<16xi32>], vector<16xi32>,
      %swap3A_344 = arith.constant 4 : i32
      %swap3A_345 = arith.index_cast %swap3A_344 : i32 to index
      %swap3A_346 = arith.constant 0 : index
      %swap3A_347 = tpu.vector_load %arg6[%swap3A_345, %swap3A_346] {strides = array<i32>} : memref<8x128xi32, #tpu.memory_space<vmem>>, vector<16xi32>,
      tpu.vector_store %arg6[%swap3A_345, %swap3A_346], %gather3A_343 {strides = array<i32>} : memref<8x128xi32, #tpu.memory_space<vmem>>, vector<16xi32>,
      %iota3A_348 = tpu.iota {dimensions = array<i32: 0>} : vector<16xi32>
      %add3A_349 = arith.constant 16 : i32
      %add3A_350 = vector.broadcast %add3A_349 : i32 to vector<16xi32>
      %add3A_351 = arith.addi %iota3A_348, %add3A_350 : vector<16xi32>
      %gather3A_352 = tpu.vector_load_idx %arg5[%add3A_351, %broadcast_in_dim3A_338] : memref<128x200xi32, #tpu.memory_space<vmem>>[vector<16xi32>, vector<16xi32>], vector<16xi32>,
      %swap3A_353 = arith.constant 4 : i32
      %swap3A_354 = arith.index_cast %swap3A_353 : i32 to index
      %swap3A_355 = arith.constant 16 : index
      %swap3A_356 = tpu.vector_load %arg6[%swap3A_354, %swap3A_355] {strides = array<i32>} : memref<8x128xi32, #tpu.memory_space<vmem>>, vector<16xi32>,
      tpu.vector_store %arg6[%swap3A_354, %swap3A_355], %gather3A_352 {strides = array<i32>} : memref<8x128xi32, #tpu.memory_space<vmem>>, vector<16xi32>,
      %iota3A_357 = tpu.iota {dimensions = array<i32: 0>} : vector<16xi32>
      %add3A_358 = arith.constant 32 : i32
      %add3A_359 = vector.broadcast %add3A_358 : i32 to vector<16xi32>
      %add3A_360 = arith.addi %iota3A_357, %add3A_359 : vector<16xi32>
      %gather3A_361 = tpu.vector_load_idx %arg5[%add3A_360, %broadcast_in_dim3A_338] : memref<128x200xi32, #tpu.memory_space<vmem>>[vector<16xi32>, vector<16xi32>], vector<16xi32>,
      %swap3A_362 = arith.constant 4 : i32
      %swap3A_363 = arith.index_cast %swap3A_362 : i32 to index
      %swap3A_364 = arith.constant 32 : index
      %swap3A_365 = tpu.vector_load %arg6[%swap3A_363, %swap3A_364] {strides = array<i32>} : memref<8x128xi32, #tpu.memory_space<vmem>>, vector<16xi32>,
      tpu.vector_store %arg6[%swap3A_363, %swap3A_364], %gather3A_361 {strides = array<i32>} : memref<8x128xi32, #tpu.memory_space<vmem>>, vector<16xi32>,
      %iota3A_366 = tpu.iota {dimensions = array<i32: 0>} : vector<16xi32>
      %add3A_367 = arith.constant 48 : i32
      %add3A_368 = vector.broadcast %add3A_367 : i32 to vector<16xi32>
      %add3A_369 = arith.addi %iota3A_366, %add3A_368 : vector<16xi32>
      %gather3A_370 = tpu.vector_load_idx %arg5[%add3A_369, %broadcast_in_dim3A_338] : memref<128x200xi32, #tpu.memory_space<vmem>>[vector<16xi32>, vector<16xi32>], vector<16xi32>,
      %swap3A_371 = arith.constant 4 : i32
      %swap3A_372 = arith.index_cast %swap3A_371 : i32 to index
      %swap3A_373 = arith.constant 48 : index
      %swap3A_374 = tpu.vector_load %arg6[%swap3A_372, %swap3A_373] {strides = array<i32>} : memref<8x128xi32, #tpu.memory_space<vmem>>, vector<16xi32>,
      tpu.vector_store %arg6[%swap3A_372, %swap3A_373], %gather3A_370 {strides = array<i32>} : memref<8x128xi32, #tpu.memory_space<vmem>>, vector<16xi32>,
      %iota3A_375 = tpu.iota {dimensions = array<i32: 0>} : vector<16xi32>
      %add3A_376 = arith.constant 64 : i32
      %add3A_377 = vector.broadcast %add3A_376 : i32 to vector<16xi32>
      %add3A_378 = arith.addi %iota3A_375, %add3A_377 : vector<16xi32>
      %gather3A_379 = tpu.vector_load_idx %arg5[%add3A_378, %broadcast_in_dim3A_338] : memref<128x200xi32, #tpu.memory_space<vmem>>[vector<16xi32>, vector<16xi32>], vector<16xi32>,
      %swap3A_380 = arith.constant 4 : i32
      %swap3A_381 = arith.index_cast %swap3A_380 : i32 to index
      %swap3A_382 = arith.constant 64 : index
      %swap3A_383 = tpu.vector_load %arg6[%swap3A_381, %swap3A_382] {strides = array<i32>} : memref<8x128xi32, #tpu.memory_space<vmem>>, vector<16xi32>,
      tpu.vector_store %arg6[%swap3A_381, %swap3A_382], %gather3A_379 {strides = array<i32>} : memref<8x128xi32, #tpu.memory_space<vmem>>, vector<16xi32>,
      %iota3A_384 = tpu.iota {dimensions = array<i32: 0>} : vector<16xi32>
      %add3A_385 = arith.constant 80 : i32
      %add3A_386 = vector.broadcast %add3A_385 : i32 to vector<16xi32>
      %add3A_387 = arith.addi %iota3A_384, %add3A_386 : vector<16xi32>
      %gather3A_388 = tpu.vector_load_idx %arg5[%add3A_387, %broadcast_in_dim3A_338] : memref<128x200xi32, #tpu.memory_space<vmem>>[vector<16xi32>, vector<16xi32>], vector<16xi32>,
      %swap3A_389 = arith.constant 4 : i32
      %swap3A_390 = arith.index_cast %swap3A_389 : i32 to index
      %swap3A_391 = arith.constant 80 : index
      %swap3A_392 = tpu.vector_load %arg6[%swap3A_390, %swap3A_391] {strides = array<i32>} : memref<8x128xi32, #tpu.memory_space<vmem>>, vector<16xi32>,
      tpu.vector_store %arg6[%swap3A_390, %swap3A_391], %gather3A_388 {strides = array<i32>} : memref<8x128xi32, #tpu.memory_space<vmem>>, vector<16xi32>,
      %iota3A_393 = tpu.iota {dimensions = array<i32: 0>} : vector<16xi32>
      %add3A_394 = arith.constant 96 : i32
      %add3A_395 = vector.broadcast %add3A_394 : i32 to vector<16xi32>
      %add3A_396 = arith.addi %iota3A_393, %add3A_395 : vector<16xi32>
      %gather3A_397 = tpu.vector_load_idx %arg5[%add3A_396, %broadcast_in_dim3A_338] : memref<128x200xi32, #tpu.memory_space<vmem>>[vector<16xi32>, vector<16xi32>], vector<16xi32>,
      %swap3A_398 = arith.constant 4 : i32
      %swap3A_399 = arith.index_cast %swap3A_398 : i32 to index
      %swap3A_400 = arith.constant 96 : index
      %swap3A_401 = tpu.vector_load %arg6[%swap3A_399, %swap3A_400] {strides = array<i32>} : memref<8x128xi32, #tpu.memory_space<vmem>>, vector<16xi32>,
      tpu.vector_store %arg6[%swap3A_399, %swap3A_400], %gather3A_397 {strides = array<i32>} : memref<8x128xi32, #tpu.memory_space<vmem>>, vector<16xi32>,
      %iota3A_402 = tpu.iota {dimensions = array<i32: 0>} : vector<16xi32>
      %add3A_403 = arith.constant 112 : i32
      %add3A_404 = vector.broadcast %add3A_403 : i32 to vector<16xi32>
      %add3A_405 = arith.addi %iota3A_402, %add3A_404 : vector<16xi32>
      %gather3A_406 = tpu.vector_load_idx %arg5[%add3A_405, %broadcast_in_dim3A_338] : memref<128x200xi32, #tpu.memory_space<vmem>>[vector<16xi32>, vector<16xi32>], vector<16xi32>,
      %swap3A_407 = arith.constant 4 : i32
      %swap3A_408 = arith.index_cast %swap3A_407 : i32 to index
      %swap3A_409 = arith.constant 112 : index
      %swap3A_410 = tpu.vector_load %arg6[%swap3A_408, %swap3A_409] {strides = array<i32>} : memref<8x128xi32, #tpu.memory_space<vmem>>, vector<16xi32>,
      tpu.vector_store %arg6[%swap3A_408, %swap3A_409], %gather3A_406 {strides = array<i32>} : memref<8x128xi32, #tpu.memory_space<vmem>>, vector<16xi32>,
      %dma_start3A_411 = arith.constant 4 : i32
      %dma_start3A_412 = arith.constant 0 : i32
      %dma_start3A_413 = tpu.memref_slice %arg6[%dma_start3A_411, %dma_start3A_412] : memref<8x128xi32, #tpu.memory_space<vmem>> -> memref<1x128xi32, #tpu.memory_space<vmem>>
      %dma_start3A_414 = tpu.memref_squeeze %dma_start3A_413 : memref<1x128xi32, #tpu.memory_space<vmem>> -> memref<128xi32, #tpu.memory_space<vmem>>
      %dma_start3A_415 = arith.constant 0 : i32
      %dma_start3A_416 = arith.constant 0 : i32
      %dma_start3A_417 = tpu.memref_slice %arg3[%dma_start3A_415, %dma_start3A_416] : memref<1000000x64xf32, #tpu.memory_space<hbm>> -> memref<1000000x64xf32, #tpu.memory_space<hbm>>
      tpu.enqueue_indirect_dma source(%dma_start3A_417 : memref<1000000x64xf32, #tpu.memory_space<hbm>>) target(%arg7 : memref<128x64xf32, #tpu.memory_space<vmem>>) offsets(%dma_start3A_414 : memref<128xi32, #tpu.memory_space<vmem>>) semaphore(%arg8 : memref<!tpu.dma_semaphore, #tpu.memory_space<semaphore_mem>>) {add = true}
      %broadcast_in_dim3A_418 = arith.constant 5 : i32
      %broadcast_in_dim3A_419 = vector.broadcast %broadcast_in_dim3A_418 : i32 to vector<16xi32>
      %iota3A_420 = tpu.iota {dimensions = array<i32: 0>} : vector<16xi32>
      %add3A_421 = arith.constant 0 : i32
      %add3A_422 = vector.broadcast %add3A_421 : i32 to vector<16xi32>
      %add3A_423 = arith.addi %iota3A_420, %add3A_422 : vector<16xi32>
      %gather3A_424 = tpu.vector_load_idx %arg5[%add3A_423, %broadcast_in_dim3A_419] : memref<128x200xi32, #tpu.memory_space<vmem>>[vector<16xi32>, vector<16xi32>], vector<16xi32>,
      %swap3A_425 = arith.constant 5 : i32
      %swap3A_426 = arith.index_cast %swap3A_425 : i32 to index
      %swap3A_427 = arith.constant 0 : index
      %swap3A_428 = tpu.vector_load %arg6[%swap3A_426, %swap3A_427] {strides = array<i32>} : memref<8x128xi32, #tpu.memory_space<vmem>>, vector<16xi32>,
      tpu.vector_store %arg6[%swap3A_426, %swap3A_427], %gather3A_424 {strides = array<i32>} : memref<8x128xi32, #tpu.memory_space<vmem>>, vector<16xi32>,
      %iota3A_429 = tpu.iota {dimensions = array<i32: 0>} : vector<16xi32>
      %add3A_430 = arith.constant 16 : i32
      %add3A_431 = vector.broadcast %add3A_430 : i32 to vector<16xi32>
      %add3A_432 = arith.addi %iota3A_429, %add3A_431 : vector<16xi32>
      %gather3A_433 = tpu.vector_load_idx %arg5[%add3A_432, %broadcast_in_dim3A_419] : memref<128x200xi32, #tpu.memory_space<vmem>>[vector<16xi32>, vector<16xi32>], vector<16xi32>,
      %swap3A_434 = arith.constant 5 : i32
      %swap3A_435 = arith.index_cast %swap3A_434 : i32 to index
      %swap3A_436 = arith.constant 16 : index
      %swap3A_437 = tpu.vector_load %arg6[%swap3A_435, %swap3A_436] {strides = array<i32>} : memref<8x128xi32, #tpu.memory_space<vmem>>, vector<16xi32>,
      tpu.vector_store %arg6[%swap3A_435, %swap3A_436], %gather3A_433 {strides = array<i32>} : memref<8x128xi32, #tpu.memory_space<vmem>>, vector<16xi32>,
      %iota3A_438 = tpu.iota {dimensions = array<i32: 0>} : vector<16xi32>
      %add3A_439 = arith.constant 32 : i32
      %add3A_440 = vector.broadcast %add3A_439 : i32 to vector<16xi32>
      %add3A_441 = arith.addi %iota3A_438, %add3A_440 : vector<16xi32>
      %gather3A_442 = tpu.vector_load_idx %arg5[%add3A_441, %broadcast_in_dim3A_419] : memref<128x200xi32, #tpu.memory_space<vmem>>[vector<16xi32>, vector<16xi32>], vector<16xi32>,
      %swap3A_443 = arith.constant 5 : i32
      %swap3A_444 = arith.index_cast %swap3A_443 : i32 to index
      %swap3A_445 = arith.constant 32 : index
      %swap3A_446 = tpu.vector_load %arg6[%swap3A_444, %swap3A_445] {strides = array<i32>} : memref<8x128xi32, #tpu.memory_space<vmem>>, vector<16xi32>,
      tpu.vector_store %arg6[%swap3A_444, %swap3A_445], %gather3A_442 {strides = array<i32>} : memref<8x128xi32, #tpu.memory_space<vmem>>, vector<16xi32>,
      %iota3A_447 = tpu.iota {dimensions = array<i32: 0>} : vector<16xi32>
      %add3A_448 = arith.constant 48 : i32
      %add3A_449 = vector.broadcast %add3A_448 : i32 to vector<16xi32>
      %add3A_450 = arith.addi %iota3A_447, %add3A_449 : vector<16xi32>
      %gather3A_451 = tpu.vector_load_idx %arg5[%add3A_450, %broadcast_in_dim3A_419] : memref<128x200xi32, #tpu.memory_space<vmem>>[vector<16xi32>, vector<16xi32>], vector<16xi32>,
      %swap3A_452 = arith.constant 5 : i32
      %swap3A_453 = arith.index_cast %swap3A_452 : i32 to index
      %swap3A_454 = arith.constant 48 : index
      %swap3A_455 = tpu.vector_load %arg6[%swap3A_453, %swap3A_454] {strides = array<i32>} : memref<8x128xi32, #tpu.memory_space<vmem>>, vector<16xi32>,
      tpu.vector_store %arg6[%swap3A_453, %swap3A_454], %gather3A_451 {strides = array<i32>} : memref<8x128xi32, #tpu.memory_space<vmem>>, vector<16xi32>,
      %iota3A_456 = tpu.iota {dimensions = array<i32: 0>} : vector<16xi32>
      %add3A_457 = arith.constant 64 : i32
      %add3A_458 = vector.broadcast %add3A_457 : i32 to vector<16xi32>
      %add3A_459 = arith.addi %iota3A_456, %add3A_458 : vector<16xi32>
      %gather3A_460 = tpu.vector_load_idx %arg5[%add3A_459, %broadcast_in_dim3A_419] : memref<128x200xi32, #tpu.memory_space<vmem>>[vector<16xi32>, vector<16xi32>], vector<16xi32>,
      %swap3A_461 = arith.constant 5 : i32
      %swap3A_462 = arith.index_cast %swap3A_461 : i32 to index
      %swap3A_463 = arith.constant 64 : index
      %swap3A_464 = tpu.vector_load %arg6[%swap3A_462, %swap3A_463] {strides = array<i32>} : memref<8x128xi32, #tpu.memory_space<vmem>>, vector<16xi32>,
      tpu.vector_store %arg6[%swap3A_462, %swap3A_463], %gather3A_460 {strides = array<i32>} : memref<8x128xi32, #tpu.memory_space<vmem>>, vector<16xi32>,
      %iota3A_465 = tpu.iota {dimensions = array<i32: 0>} : vector<16xi32>
      %add3A_466 = arith.constant 80 : i32
      %add3A_467 = vector.broadcast %add3A_466 : i32 to vector<16xi32>
      %add3A_468 = arith.addi %iota3A_465, %add3A_467 : vector<16xi32>
      %gather3A_469 = tpu.vector_load_idx %arg5[%add3A_468, %broadcast_in_dim3A_419] : memref<128x200xi32, #tpu.memory_space<vmem>>[vector<16xi32>, vector<16xi32>], vector<16xi32>,
      %swap3A_470 = arith.constant 5 : i32
      %swap3A_471 = arith.index_cast %swap3A_470 : i32 to index
      %swap3A_472 = arith.constant 80 : index
      %swap3A_473 = tpu.vector_load %arg6[%swap3A_471, %swap3A_472] {strides = array<i32>} : memref<8x128xi32, #tpu.memory_space<vmem>>, vector<16xi32>,
      tpu.vector_store %arg6[%swap3A_471, %swap3A_472], %gather3A_469 {strides = array<i32>} : memref<8x128xi32, #tpu.memory_space<vmem>>, vector<16xi32>,
      %iota3A_474 = tpu.iota {dimensions = array<i32: 0>} : vector<16xi32>
      %add3A_475 = arith.constant 96 : i32
      %add3A_476 = vector.broadcast %add3A_475 : i32 to vector<16xi32>
      %add3A_477 = arith.addi %iota3A_474, %add3A_476 : vector<16xi32>
      %gather3A_478 = tpu.vector_load_idx %arg5[%add3A_477, %broadcast_in_dim3A_419] : memref<128x200xi32, #tpu.memory_space<vmem>>[vector<16xi32>, vector<16xi32>], vector<16xi32>,
      %swap3A_479 = arith.constant 5 : i32
      %swap3A_480 = arith.index_cast %swap3A_479 : i32 to index
      %swap3A_481 = arith.constant 96 : index
      %swap3A_482 = tpu.vector_load %arg6[%swap3A_480, %swap3A_481] {strides = array<i32>} : memref<8x128xi32, #tpu.memory_space<vmem>>, vector<16xi32>,
      tpu.vector_store %arg6[%swap3A_480, %swap3A_481], %gather3A_478 {strides = array<i32>} : memref<8x128xi32, #tpu.memory_space<vmem>>, vector<16xi32>,
      %iota3A_483 = tpu.iota {dimensions = array<i32: 0>} : vector<16xi32>
      %add3A_484 = arith.constant 112 : i32
      %add3A_485 = vector.broadcast %add3A_484 : i32 to vector<16xi32>
      %add3A_486 = arith.addi %iota3A_483, %add3A_485 : vector<16xi32>
      %gather3A_487 = tpu.vector_load_idx %arg5[%add3A_486, %broadcast_in_dim3A_419] : memref<128x200xi32, #tpu.memory_space<vmem>>[vector<16xi32>, vector<16xi32>], vector<16xi32>,
      %swap3A_488 = arith.constant 5 : i32
      %swap3A_489 = arith.index_cast %swap3A_488 : i32 to index
      %swap3A_490 = arith.constant 112 : index
      %swap3A_491 = tpu.vector_load %arg6[%swap3A_489, %swap3A_490] {strides = array<i32>} : memref<8x128xi32, #tpu.memory_space<vmem>>, vector<16xi32>,
      tpu.vector_store %arg6[%swap3A_489, %swap3A_490], %gather3A_487 {strides = array<i32>} : memref<8x128xi32, #tpu.memory_space<vmem>>, vector<16xi32>,
      %dma_start3A_492 = arith.constant 5 : i32
      %dma_start3A_493 = arith.constant 0 : i32
      %dma_start3A_494 = tpu.memref_slice %arg6[%dma_start3A_492, %dma_start3A_493] : memref<8x128xi32, #tpu.memory_space<vmem>> -> memref<1x128xi32, #tpu.memory_space<vmem>>
      %dma_start3A_495 = tpu.memref_squeeze %dma_start3A_494 : memref<1x128xi32, #tpu.memory_space<vmem>> -> memref<128xi32, #tpu.memory_space<vmem>>
      %dma_start3A_496 = arith.constant 0 : i32
      %dma_start3A_497 = arith.constant 0 : i32
      %dma_start3A_498 = tpu.memref_slice %arg3[%dma_start3A_496, %dma_start3A_497] : memref<1000000x64xf32, #tpu.memory_space<hbm>> -> memref<1000000x64xf32, #tpu.memory_space<hbm>>
      tpu.enqueue_indirect_dma source(%dma_start3A_498 : memref<1000000x64xf32, #tpu.memory_space<hbm>>) target(%arg7 : memref<128x64xf32, #tpu.memory_space<vmem>>) offsets(%dma_start3A_495 : memref<128xi32, #tpu.memory_space<vmem>>) semaphore(%arg8 : memref<!tpu.dma_semaphore, #tpu.memory_space<semaphore_mem>>) {add = true}
      %broadcast_in_dim3A_499 = arith.constant 6 : i32
      %broadcast_in_dim3A_500 = vector.broadcast %broadcast_in_dim3A_499 : i32 to vector<16xi32>
      %iota3A_501 = tpu.iota {dimensions = array<i32: 0>} : vector<16xi32>
      %add3A_502 = arith.constant 0 : i32
      %add3A_503 = vector.broadcast %add3A_502 : i32 to vector<16xi32>
      %add3A_504 = arith.addi %iota3A_501, %add3A_503 : vector<16xi32>
      %gather3A_505 = tpu.vector_load_idx %arg5[%add3A_504, %broadcast_in_dim3A_500] : memref<128x200xi32, #tpu.memory_space<vmem>>[vector<16xi32>, vector<16xi32>], vector<16xi32>,
      %swap3A_506 = arith.constant 6 : i32
      %swap3A_507 = arith.index_cast %swap3A_506 : i32 to index
      %swap3A_508 = arith.constant 0 : index
      %swap3A_509 = tpu.vector_load %arg6[%swap3A_507, %swap3A_508] {strides = array<i32>} : memref<8x128xi32, #tpu.memory_space<vmem>>, vector<16xi32>,
      tpu.vector_store %arg6[%swap3A_507, %swap3A_508], %gather3A_505 {strides = array<i32>} : memref<8x128xi32, #tpu.memory_space<vmem>>, vector<16xi32>,
      %iota3A_510 = tpu.iota {dimensions = array<i32: 0>} : vector<16xi32>
      %add3A_511 = arith.constant 16 : i32
      %add3A_512 = vector.broadcast %add3A_511 : i32 to vector<16xi32>
      %add3A_513 = arith.addi %iota3A_510, %add3A_512 : vector<16xi32>
      %gather3A_514 = tpu.vector_load_idx %arg5[%add3A_513, %broadcast_in_dim3A_500] : memref<128x200xi32, #tpu.memory_space<vmem>>[vector<16xi32>, vector<16xi32>], vector<16xi32>,
      %swap3A_515 = arith.constant 6 : i32
      %swap3A_516 = arith.index_cast %swap3A_515 : i32 to index
      %swap3A_517 = arith.constant 16 : index
      %swap3A_518 = tpu.vector_load %arg6[%swap3A_516, %swap3A_517] {strides = array<i32>} : memref<8x128xi32, #tpu.memory_space<vmem>>, vector<16xi32>,
      tpu.vector_store %arg6[%swap3A_516, %swap3A_517], %gather3A_514 {strides = array<i32>} : memref<8x128xi32, #tpu.memory_space<vmem>>, vector<16xi32>,
      %iota3A_519 = tpu.iota {dimensions = array<i32: 0>} : vector<16xi32>
      %add3A_520 = arith.constant 32 : i32
      %add3A_521 = vector.broadcast %add3A_520 : i32 to vector<16xi32>
      %add3A_522 = arith.addi %iota3A_519, %add3A_521 : vector<16xi32>
      %gather3A_523 = tpu.vector_load_idx %arg5[%add3A_522, %broadcast_in_dim3A_500] : memref<128x200xi32, #tpu.memory_space<vmem>>[vector<16xi32>, vector<16xi32>], vector<16xi32>,
      %swap3A_524 = arith.constant 6 : i32
      %swap3A_525 = arith.index_cast %swap3A_524 : i32 to index
      %swap3A_526 = arith.constant 32 : index
      %swap3A_527 = tpu.vector_load %arg6[%swap3A_525, %swap3A_526] {strides = array<i32>} : memref<8x128xi32, #tpu.memory_space<vmem>>, vector<16xi32>,
      tpu.vector_store %arg6[%swap3A_525, %swap3A_526], %gather3A_523 {strides = array<i32>} : memref<8x128xi32, #tpu.memory_space<vmem>>, vector<16xi32>,
      %iota3A_528 = tpu.iota {dimensions = array<i32: 0>} : vector<16xi32>
      %add3A_529 = arith.constant 48 : i32
      %add3A_530 = vector.broadcast %add3A_529 : i32 to vector<16xi32>
      %add3A_531 = arith.addi %iota3A_528, %add3A_530 : vector<16xi32>
      %gather3A_532 = tpu.vector_load_idx %arg5[%add3A_531, %broadcast_in_dim3A_500] : memref<128x200xi32, #tpu.memory_space<vmem>>[vector<16xi32>, vector<16xi32>], vector<16xi32>,
      %swap3A_533 = arith.constant 6 : i32
      %swap3A_534 = arith.index_cast %swap3A_533 : i32 to index
      %swap3A_535 = arith.constant 48 : index
      %swap3A_536 = tpu.vector_load %arg6[%swap3A_534, %swap3A_535] {strides = array<i32>} : memref<8x128xi32, #tpu.memory_space<vmem>>, vector<16xi32>,
      tpu.vector_store %arg6[%swap3A_534, %swap3A_535], %gather3A_532 {strides = array<i32>} : memref<8x128xi32, #tpu.memory_space<vmem>>, vector<16xi32>,
      %iota3A_537 = tpu.iota {dimensions = array<i32: 0>} : vector<16xi32>
      %add3A_538 = arith.constant 64 : i32
      %add3A_539 = vector.broadcast %add3A_538 : i32 to vector<16xi32>
      %add3A_540 = arith.addi %iota3A_537, %add3A_539 : vector<16xi32>
      %gather3A_541 = tpu.vector_load_idx %arg5[%add3A_540, %broadcast_in_dim3A_500] : memref<128x200xi32, #tpu.memory_space<vmem>>[vector<16xi32>, vector<16xi32>], vector<16xi32>,
      %swap3A_542 = arith.constant 6 : i32
      %swap3A_543 = arith.index_cast %swap3A_542 : i32 to index
      %swap3A_544 = arith.constant 64 : index
      %swap3A_545 = tpu.vector_load %arg6[%swap3A_543, %swap3A_544] {strides = array<i32>} : memref<8x128xi32, #tpu.memory_space<vmem>>, vector<16xi32>,
      tpu.vector_store %arg6[%swap3A_543, %swap3A_544], %gather3A_541 {strides = array<i32>} : memref<8x128xi32, #tpu.memory_space<vmem>>, vector<16xi32>,
      %iota3A_546 = tpu.iota {dimensions = array<i32: 0>} : vector<16xi32>
      %add3A_547 = arith.constant 80 : i32
      %add3A_548 = vector.broadcast %add3A_547 : i32 to vector<16xi32>
      %add3A_549 = arith.addi %iota3A_546, %add3A_548 : vector<16xi32>
      %gather3A_550 = tpu.vector_load_idx %arg5[%add3A_549, %broadcast_in_dim3A_500] : memref<128x200xi32, #tpu.memory_space<vmem>>[vector<16xi32>, vector<16xi32>], vector<16xi32>,
      %swap3A_551 = arith.constant 6 : i32
      %swap3A_552 = arith.index_cast %swap3A_551 : i32 to index
      %swap3A_553 = arith.constant 80 : index
      %swap3A_554 = tpu.vector_load %arg6[%swap3A_552, %swap3A_553] {strides = array<i32>} : memref<8x128xi32, #tpu.memory_space<vmem>>, vector<16xi32>,
      tpu.vector_store %arg6[%swap3A_552, %swap3A_553], %gather3A_550 {strides = array<i32>} : memref<8x128xi32, #tpu.memory_space<vmem>>, vector<16xi32>,
      %iota3A_555 = tpu.iota {dimensions = array<i32: 0>} : vector<16xi32>
      %add3A_556 = arith.constant 96 : i32
      %add3A_557 = vector.broadcast %add3A_556 : i32 to vector<16xi32>
      %add3A_558 = arith.addi %iota3A_555, %add3A_557 : vector<16xi32>
      %gather3A_559 = tpu.vector_load_idx %arg5[%add3A_558, %broadcast_in_dim3A_500] : memref<128x200xi32, #tpu.memory_space<vmem>>[vector<16xi32>, vector<16xi32>], vector<16xi32>,
      %swap3A_560 = arith.constant 6 : i32
      %swap3A_561 = arith.index_cast %swap3A_560 : i32 to index
      %swap3A_562 = arith.constant 96 : index
      %swap3A_563 = tpu.vector_load %arg6[%swap3A_561, %swap3A_562] {strides = array<i32>} : memref<8x128xi32, #tpu.memory_space<vmem>>, vector<16xi32>,
      tpu.vector_store %arg6[%swap3A_561, %swap3A_562], %gather3A_559 {strides = array<i32>} : memref<8x128xi32, #tpu.memory_space<vmem>>, vector<16xi32>,
      %iota3A_564 = tpu.iota {dimensions = array<i32: 0>} : vector<16xi32>
      %add3A_565 = arith.constant 112 : i32
      %add3A_566 = vector.broadcast %add3A_565 : i32 to vector<16xi32>
      %add3A_567 = arith.addi %iota3A_564, %add3A_566 : vector<16xi32>
      %gather3A_568 = tpu.vector_load_idx %arg5[%add3A_567, %broadcast_in_dim3A_500] : memref<128x200xi32, #tpu.memory_space<vmem>>[vector<16xi32>, vector<16xi32>], vector<16xi32>,
      %swap3A_569 = arith.constant 6 : i32
      %swap3A_570 = arith.index_cast %swap3A_569 : i32 to index
      %swap3A_571 = arith.constant 112 : index
      %swap3A_572 = tpu.vector_load %arg6[%swap3A_570, %swap3A_571] {strides = array<i32>} : memref<8x128xi32, #tpu.memory_space<vmem>>, vector<16xi32>,
      tpu.vector_store %arg6[%swap3A_570, %swap3A_571], %gather3A_568 {strides = array<i32>} : memref<8x128xi32, #tpu.memory_space<vmem>>, vector<16xi32>,
      %dma_start3A_573 = arith.constant 6 : i32
      %dma_start3A_574 = arith.constant 0 : i32
      %dma_start3A_575 = tpu.memref_slice %arg6[%dma_start3A_573, %dma_start3A_574] : memref<8x128xi32, #tpu.memory_space<vmem>> -> memref<1x128xi32, #tpu.memory_space<vmem>>
      %dma_start3A_576 = tpu.memref_squeeze %dma_start3A_575 : memref<1x128xi32, #tpu.memory_space<vmem>> -> memref<128xi32, #tpu.memory_space<vmem>>
      %dma_start3A_577 = arith.constant 0 : i32
      %dma_start3A_578 = arith.constant 0 : i32
      %dma_start3A_579 = tpu.memref_slice %arg3[%dma_start3A_577, %dma_start3A_578] : memref<1000000x64xf32, #tpu.memory_space<hbm>> -> memref<1000000x64xf32, #tpu.memory_space<hbm>>
      tpu.enqueue_indirect_dma source(%dma_start3A_579 : memref<1000000x64xf32, #tpu.memory_space<hbm>>) target(%arg7 : memref<128x64xf32, #tpu.memory_space<vmem>>) offsets(%dma_start3A_576 : memref<128xi32, #tpu.memory_space<vmem>>) semaphore(%arg8 : memref<!tpu.dma_semaphore, #tpu.memory_space<semaphore_mem>>) {add = true}
      %broadcast_in_dim3A_580 = arith.constant 7 : i32
      %broadcast_in_dim3A_581 = vector.broadcast %broadcast_in_dim3A_580 : i32 to vector<16xi32>
      %iota3A_582 = tpu.iota {dimensions = array<i32: 0>} : vector<16xi32>
      %add3A_583 = arith.constant 0 : i32
      %add3A_584 = vector.broadcast %add3A_583 : i32 to vector<16xi32>
      %add3A_585 = arith.addi %iota3A_582, %add3A_584 : vector<16xi32>
      %gather3A_586 = tpu.vector_load_idx %arg5[%add3A_585, %broadcast_in_dim3A_581] : memref<128x200xi32, #tpu.memory_space<vmem>>[vector<16xi32>, vector<16xi32>], vector<16xi32>,
      %swap3A_587 = arith.constant 7 : i32
      %swap3A_588 = arith.index_cast %swap3A_587 : i32 to index
      %swap3A_589 = arith.constant 0 : index
      %swap3A_590 = tpu.vector_load %arg6[%swap3A_588, %swap3A_589] {strides = array<i32>} : memref<8x128xi32, #tpu.memory_space<vmem>>, vector<16xi32>,
      tpu.vector_store %arg6[%swap3A_588, %swap3A_589], %gather3A_586 {strides = array<i32>} : memref<8x128xi32, #tpu.memory_space<vmem>>, vector<16xi32>,
      %iota3A_591 = tpu.iota {dimensions = array<i32: 0>} : vector<16xi32>
      %add3A_592 = arith.constant 16 : i32
      %add3A_593 = vector.broadcast %add3A_592 : i32 to vector<16xi32>
      %add3A_594 = arith.addi %iota3A_591, %add3A_593 : vector<16xi32>
      %gather3A_595 = tpu.vector_load_idx %arg5[%add3A_594, %broadcast_in_dim3A_581] : memref<128x200xi32, #tpu.memory_space<vmem>>[vector<16xi32>, vector<16xi32>], vector<16xi32>,
      %swap3A_596 = arith.constant 7 : i32
      %swap3A_597 = arith.index_cast %swap3A_596 : i32 to index
      %swap3A_598 = arith.constant 16 : index
      %swap3A_599 = tpu.vector_load %arg6[%swap3A_597, %swap3A_598] {strides = array<i32>} : memref<8x128xi32, #tpu.memory_space<vmem>>, vector<16xi32>,
      tpu.vector_store %arg6[%swap3A_597, %swap3A_598], %gather3A_595 {strides = array<i32>} : memref<8x128xi32, #tpu.memory_space<vmem>>, vector<16xi32>,
      %iota3A_600 = tpu.iota {dimensions = array<i32: 0>} : vector<16xi32>
      %add3A_601 = arith.constant 32 : i32
      %add3A_602 = vector.broadcast %add3A_601 : i32 to vector<16xi32>
      %add3A_603 = arith.addi %iota3A_600, %add3A_602 : vector<16xi32>
      %gather3A_604 = tpu.vector_load_idx %arg5[%add3A_603, %broadcast_in_dim3A_581] : memref<128x200xi32, #tpu.memory_space<vmem>>[vector<16xi32>, vector<16xi32>], vector<16xi32>,
      %swap3A_605 = arith.constant 7 : i32
      %swap3A_606 = arith.index_cast %swap3A_605 : i32 to index
      %swap3A_607 = arith.constant 32 : index
      %swap3A_608 = tpu.vector_load %arg6[%swap3A_606, %swap3A_607] {strides = array<i32>} : memref<8x128xi32, #tpu.memory_space<vmem>>, vector<16xi32>,
      tpu.vector_store %arg6[%swap3A_606, %swap3A_607], %gather3A_604 {strides = array<i32>} : memref<8x128xi32, #tpu.memory_space<vmem>>, vector<16xi32>,
      %iota3A_609 = tpu.iota {dimensions = array<i32: 0>} : vector<16xi32>
      %add3A_610 = arith.constant 48 : i32
      %add3A_611 = vector.broadcast %add3A_610 : i32 to vector<16xi32>
      %add3A_612 = arith.addi %iota3A_609, %add3A_611 : vector<16xi32>
      %gather3A_613 = tpu.vector_load_idx %arg5[%add3A_612, %broadcast_in_dim3A_581] : memref<128x200xi32, #tpu.memory_space<vmem>>[vector<16xi32>, vector<16xi32>], vector<16xi32>,
      %swap3A_614 = arith.constant 7 : i32
      %swap3A_615 = arith.index_cast %swap3A_614 : i32 to index
      %swap3A_616 = arith.constant 48 : index
      %swap3A_617 = tpu.vector_load %arg6[%swap3A_615, %swap3A_616] {strides = array<i32>} : memref<8x128xi32, #tpu.memory_space<vmem>>, vector<16xi32>,
      tpu.vector_store %arg6[%swap3A_615, %swap3A_616], %gather3A_613 {strides = array<i32>} : memref<8x128xi32, #tpu.memory_space<vmem>>, vector<16xi32>,
      %iota3A_618 = tpu.iota {dimensions = array<i32: 0>} : vector<16xi32>
      %add3A_619 = arith.constant 64 : i32
      %add3A_620 = vector.broadcast %add3A_619 : i32 to vector<16xi32>
      %add3A_621 = arith.addi %iota3A_618, %add3A_620 : vector<16xi32>
      %gather3A_622 = tpu.vector_load_idx %arg5[%add3A_621, %broadcast_in_dim3A_581] : memref<128x200xi32, #tpu.memory_space<vmem>>[vector<16xi32>, vector<16xi32>], vector<16xi32>,
      %swap3A_623 = arith.constant 7 : i32
      %swap3A_624 = arith.index_cast %swap3A_623 : i32 to index
      %swap3A_625 = arith.constant 64 : index
      %swap3A_626 = tpu.vector_load %arg6[%swap3A_624, %swap3A_625] {strides = array<i32>} : memref<8x128xi32, #tpu.memory_space<vmem>>, vector<16xi32>,
      tpu.vector_store %arg6[%swap3A_624, %swap3A_625], %gather3A_622 {strides = array<i32>} : memref<8x128xi32, #tpu.memory_space<vmem>>, vector<16xi32>,
      %iota3A_627 = tpu.iota {dimensions = array<i32: 0>} : vector<16xi32>
      %add3A_628 = arith.constant 80 : i32
      %add3A_629 = vector.broadcast %add3A_628 : i32 to vector<16xi32>
      %add3A_630 = arith.addi %iota3A_627, %add3A_629 : vector<16xi32>
      %gather3A_631 = tpu.vector_load_idx %arg5[%add3A_630, %broadcast_in_dim3A_581] : memref<128x200xi32, #tpu.memory_space<vmem>>[vector<16xi32>, vector<16xi32>], vector<16xi32>,
      %swap3A_632 = arith.constant 7 : i32
      %swap3A_633 = arith.index_cast %swap3A_632 : i32 to index
      %swap3A_634 = arith.constant 80 : index
      %swap3A_635 = tpu.vector_load %arg6[%swap3A_633, %swap3A_634] {strides = array<i32>} : memref<8x128xi32, #tpu.memory_space<vmem>>, vector<16xi32>,
      tpu.vector_store %arg6[%swap3A_633, %swap3A_634], %gather3A_631 {strides = array<i32>} : memref<8x128xi32, #tpu.memory_space<vmem>>, vector<16xi32>,
      %iota3A_636 = tpu.iota {dimensions = array<i32: 0>} : vector<16xi32>
      %add3A_637 = arith.constant 96 : i32
      %add3A_638 = vector.broadcast %add3A_637 : i32 to vector<16xi32>
      %add3A_639 = arith.addi %iota3A_636, %add3A_638 : vector<16xi32>
      %gather3A_640 = tpu.vector_load_idx %arg5[%add3A_639, %broadcast_in_dim3A_581] : memref<128x200xi32, #tpu.memory_space<vmem>>[vector<16xi32>, vector<16xi32>], vector<16xi32>,
      %swap3A_641 = arith.constant 7 : i32
      %swap3A_642 = arith.index_cast %swap3A_641 : i32 to index
      %swap3A_643 = arith.constant 96 : index
      %swap3A_644 = tpu.vector_load %arg6[%swap3A_642, %swap3A_643] {strides = array<i32>} : memref<8x128xi32, #tpu.memory_space<vmem>>, vector<16xi32>,
      tpu.vector_store %arg6[%swap3A_642, %swap3A_643], %gather3A_640 {strides = array<i32>} : memref<8x128xi32, #tpu.memory_space<vmem>>, vector<16xi32>,
      %iota3A_645 = tpu.iota {dimensions = array<i32: 0>} : vector<16xi32>
      %add3A_646 = arith.constant 112 : i32
      %add3A_647 = vector.broadcast %add3A_646 : i32 to vector<16xi32>
      %add3A_648 = arith.addi %iota3A_645, %add3A_647 : vector<16xi32>
      %gather3A_649 = tpu.vector_load_idx %arg5[%add3A_648, %broadcast_in_dim3A_581] : memref<128x200xi32, #tpu.memory_space<vmem>>[vector<16xi32>, vector<16xi32>], vector<16xi32>,
      %swap3A_650 = arith.constant 7 : i32
      %swap3A_651 = arith.index_cast %swap3A_650 : i32 to index
      %swap3A_652 = arith.constant 112 : index
      %swap3A_653 = tpu.vector_load %arg6[%swap3A_651, %swap3A_652] {strides = array<i32>} : memref<8x128xi32, #tpu.memory_space<vmem>>, vector<16xi32>,
      tpu.vector_store %arg6[%swap3A_651, %swap3A_652], %gather3A_649 {strides = array<i32>} : memref<8x128xi32, #tpu.memory_space<vmem>>, vector<16xi32>,
      %dma_start3A_654 = arith.constant 7 : i32
      %dma_start3A_655 = arith.constant 0 : i32
      %dma_start3A_656 = tpu.memref_slice %arg6[%dma_start3A_654, %dma_start3A_655] : memref<8x128xi32, #tpu.memory_space<vmem>> -> memref<1x128xi32, #tpu.memory_space<vmem>>
      %dma_start3A_657 = tpu.memref_squeeze %dma_start3A_656 : memref<1x128xi32, #tpu.memory_space<vmem>> -> memref<128xi32, #tpu.memory_space<vmem>>
      %dma_start3A_658 = arith.constant 0 : i32
      %dma_start3A_659 = arith.constant 0 : i32
      %dma_start3A_660 = tpu.memref_slice %arg3[%dma_start3A_658, %dma_start3A_659] : memref<1000000x64xf32, #tpu.memory_space<hbm>> -> memref<1000000x64xf32, #tpu.memory_space<hbm>>
      tpu.enqueue_indirect_dma source(%dma_start3A_660 : memref<1000000x64xf32, #tpu.memory_space<hbm>>) target(%arg7 : memref<128x64xf32, #tpu.memory_space<vmem>>) offsets(%dma_start3A_657 : memref<128xi32, #tpu.memory_space<vmem>>) semaphore(%arg8 : memref<!tpu.dma_semaphore, #tpu.memory_space<semaphore_mem>>) {add = true}
      %scan3A_661 = arith.constant 0 : i32
      %scan3A_662 = arith.constant 8 : i32
      %scan3A_663 = arith.constant 192 : i32
      %scan3A_664 = arith.addi %scan3A_662, %scan3A_663 : i32
      %scan3A_665 = arith.constant 1 : i32
      scf.for %scan3A_718 = %scan3A_662 to %scan3A_664 step %scan3A_665  : i32 {
        %dma_wait3A_719 = arith.constant 0 : i32
        %dma_wait3A_720 = arith.constant 0 : i32
        %dma_wait3A_721 = tpu.memref_slice %arg6[%dma_wait3A_719, %dma_wait3A_720] : memref<8x128xi32, #tpu.memory_space<vmem>> -> memref<1x128xi32, #tpu.memory_space<vmem>>
        %dma_wait3A_722 = tpu.memref_squeeze %dma_wait3A_721 : memref<1x128xi32, #tpu.memory_space<vmem>> -> memref<128xi32, #tpu.memory_space<vmem>>
        %dma_wait3A_723 = arith.constant 0 : i32
        %dma_wait3A_724 = arith.constant 0 : i32
        %dma_wait3A_725 = tpu.memref_slice %arg3[%dma_wait3A_723, %dma_wait3A_724] : memref<1000000x64xf32, #tpu.memory_space<hbm>> -> memref<1000000x64xf32, #tpu.memory_space<hbm>>
        tpu.wait_indirect_dma semaphore(%arg8 : memref<!tpu.dma_semaphore, #tpu.memory_space<semaphore_mem>>) src(%dma_wait3A_725 : memref<1000000x64xf32, #tpu.memory_space<hbm>>) dst(%arg7 : memref<128x64xf32, #tpu.memory_space<vmem>>)
        %and3A = arith.constant 7 : i32
        %and3A_726 = arith.andi %scan3A_718, %and3A : i32
        %broadcast_in_dim3A_727 = vector.broadcast %scan3A_718 : i32 to vector<16xi32>
        %iota3A_728 = tpu.iota {dimensions = array<i32: 0>} : vector<16xi32>
        %add3A_729 = arith.constant 0 : i32
        %add3A_730 = vector.broadcast %add3A_729 : i32 to vector<16xi32>
        %add3A_731 = arith.addi %iota3A_728, %add3A_730 : vector<16xi32>
        %gather3A_732 = tpu.vector_load_idx %arg5[%add3A_731, %broadcast_in_dim3A_727] : memref<128x200xi32, #tpu.memory_space<vmem>>[vector<16xi32>, vector<16xi32>], vector<16xi32>,
        %swap3A_733 = arith.index_cast %and3A_726 : i32 to index
        %swap3A_734 = arith.constant 0 : index
        %swap3A_735 = tpu.vector_load %arg6[%swap3A_733, %swap3A_734] {strides = array<i32>} : memref<8x128xi32, #tpu.memory_space<vmem>>, vector<16xi32>,
        tpu.vector_store %arg6[%swap3A_733, %swap3A_734], %gather3A_732 {strides = array<i32>} : memref<8x128xi32, #tpu.memory_space<vmem>>, vector<16xi32>,
        %iota3A_736 = tpu.iota {dimensions = array<i32: 0>} : vector<16xi32>
        %add3A_737 = arith.constant 16 : i32
        %add3A_738 = vector.broadcast %add3A_737 : i32 to vector<16xi32>
        %add3A_739 = arith.addi %iota3A_736, %add3A_738 : vector<16xi32>
        %gather3A_740 = tpu.vector_load_idx %arg5[%add3A_739, %broadcast_in_dim3A_727] : memref<128x200xi32, #tpu.memory_space<vmem>>[vector<16xi32>, vector<16xi32>], vector<16xi32>,
        %swap3A_741 = arith.index_cast %and3A_726 : i32 to index
        %swap3A_742 = arith.constant 16 : index
        %swap3A_743 = tpu.vector_load %arg6[%swap3A_741, %swap3A_742] {strides = array<i32>} : memref<8x128xi32, #tpu.memory_space<vmem>>, vector<16xi32>,
        tpu.vector_store %arg6[%swap3A_741, %swap3A_742], %gather3A_740 {strides = array<i32>} : memref<8x128xi32, #tpu.memory_space<vmem>>, vector<16xi32>,
        %iota3A_744 = tpu.iota {dimensions = array<i32: 0>} : vector<16xi32>
        %add3A_745 = arith.constant 32 : i32
        %add3A_746 = vector.broadcast %add3A_745 : i32 to vector<16xi32>
        %add3A_747 = arith.addi %iota3A_744, %add3A_746 : vector<16xi32>
        %gather3A_748 = tpu.vector_load_idx %arg5[%add3A_747, %broadcast_in_dim3A_727] : memref<128x200xi32, #tpu.memory_space<vmem>>[vector<16xi32>, vector<16xi32>], vector<16xi32>,
        %swap3A_749 = arith.index_cast %and3A_726 : i32 to index
        %swap3A_750 = arith.constant 32 : index
        %swap3A_751 = tpu.vector_load %arg6[%swap3A_749, %swap3A_750] {strides = array<i32>} : memref<8x128xi32, #tpu.memory_space<vmem>>, vector<16xi32>,
        tpu.vector_store %arg6[%swap3A_749, %swap3A_750], %gather3A_748 {strides = array<i32>} : memref<8x128xi32, #tpu.memory_space<vmem>>, vector<16xi32>,
        %iota3A_752 = tpu.iota {dimensions = array<i32: 0>} : vector<16xi32>
        %add3A_753 = arith.constant 48 : i32
        %add3A_754 = vector.broadcast %add3A_753 : i32 to vector<16xi32>
        %add3A_755 = arith.addi %iota3A_752, %add3A_754 : vector<16xi32>
        %gather3A_756 = tpu.vector_load_idx %arg5[%add3A_755, %broadcast_in_dim3A_727] : memref<128x200xi32, #tpu.memory_space<vmem>>[vector<16xi32>, vector<16xi32>], vector<16xi32>,
        %swap3A_757 = arith.index_cast %and3A_726 : i32 to index
        %swap3A_758 = arith.constant 48 : index
        %swap3A_759 = tpu.vector_load %arg6[%swap3A_757, %swap3A_758] {strides = array<i32>} : memref<8x128xi32, #tpu.memory_space<vmem>>, vector<16xi32>,
        tpu.vector_store %arg6[%swap3A_757, %swap3A_758], %gather3A_756 {strides = array<i32>} : memref<8x128xi32, #tpu.memory_space<vmem>>, vector<16xi32>,
        %iota3A_760 = tpu.iota {dimensions = array<i32: 0>} : vector<16xi32>
        %add3A_761 = arith.constant 64 : i32
        %add3A_762 = vector.broadcast %add3A_761 : i32 to vector<16xi32>
        %add3A_763 = arith.addi %iota3A_760, %add3A_762 : vector<16xi32>
        %gather3A_764 = tpu.vector_load_idx %arg5[%add3A_763, %broadcast_in_dim3A_727] : memref<128x200xi32, #tpu.memory_space<vmem>>[vector<16xi32>, vector<16xi32>], vector<16xi32>,
        %swap3A_765 = arith.index_cast %and3A_726 : i32 to index
        %swap3A_766 = arith.constant 64 : index
        %swap3A_767 = tpu.vector_load %arg6[%swap3A_765, %swap3A_766] {strides = array<i32>} : memref<8x128xi32, #tpu.memory_space<vmem>>, vector<16xi32>,
        tpu.vector_store %arg6[%swap3A_765, %swap3A_766], %gather3A_764 {strides = array<i32>} : memref<8x128xi32, #tpu.memory_space<vmem>>, vector<16xi32>,
        %iota3A_768 = tpu.iota {dimensions = array<i32: 0>} : vector<16xi32>
        %add3A_769 = arith.constant 80 : i32
        %add3A_770 = vector.broadcast %add3A_769 : i32 to vector<16xi32>
        %add3A_771 = arith.addi %iota3A_768, %add3A_770 : vector<16xi32>
        %gather3A_772 = tpu.vector_load_idx %arg5[%add3A_771, %broadcast_in_dim3A_727] : memref<128x200xi32, #tpu.memory_space<vmem>>[vector<16xi32>, vector<16xi32>], vector<16xi32>,
        %swap3A_773 = arith.index_cast %and3A_726 : i32 to index
        %swap3A_774 = arith.constant 80 : index
        %swap3A_775 = tpu.vector_load %arg6[%swap3A_773, %swap3A_774] {strides = array<i32>} : memref<8x128xi32, #tpu.memory_space<vmem>>, vector<16xi32>,
        tpu.vector_store %arg6[%swap3A_773, %swap3A_774], %gather3A_772 {strides = array<i32>} : memref<8x128xi32, #tpu.memory_space<vmem>>, vector<16xi32>,
        %iota3A_776 = tpu.iota {dimensions = array<i32: 0>} : vector<16xi32>
        %add3A_777 = arith.constant 96 : i32
        %add3A_778 = vector.broadcast %add3A_777 : i32 to vector<16xi32>
        %add3A_779 = arith.addi %iota3A_776, %add3A_778 : vector<16xi32>
        %gather3A_780 = tpu.vector_load_idx %arg5[%add3A_779, %broadcast_in_dim3A_727] : memref<128x200xi32, #tpu.memory_space<vmem>>[vector<16xi32>, vector<16xi32>], vector<16xi32>,
        %swap3A_781 = arith.index_cast %and3A_726 : i32 to index
        %swap3A_782 = arith.constant 96 : index
        %swap3A_783 = tpu.vector_load %arg6[%swap3A_781, %swap3A_782] {strides = array<i32>} : memref<8x128xi32, #tpu.memory_space<vmem>>, vector<16xi32>,
        tpu.vector_store %arg6[%swap3A_781, %swap3A_782], %gather3A_780 {strides = array<i32>} : memref<8x128xi32, #tpu.memory_space<vmem>>, vector<16xi32>,
        %iota3A_784 = tpu.iota {dimensions = array<i32: 0>} : vector<16xi32>
        %add3A_785 = arith.constant 112 : i32
        %add3A_786 = vector.broadcast %add3A_785 : i32 to vector<16xi32>
        %add3A_787 = arith.addi %iota3A_784, %add3A_786 : vector<16xi32>
        %gather3A_788 = tpu.vector_load_idx %arg5[%add3A_787, %broadcast_in_dim3A_727] : memref<128x200xi32, #tpu.memory_space<vmem>>[vector<16xi32>, vector<16xi32>], vector<16xi32>,
        %swap3A_789 = arith.index_cast %and3A_726 : i32 to index
        %swap3A_790 = arith.constant 112 : index
        %swap3A_791 = tpu.vector_load %arg6[%swap3A_789, %swap3A_790] {strides = array<i32>} : memref<8x128xi32, #tpu.memory_space<vmem>>, vector<16xi32>,
        tpu.vector_store %arg6[%swap3A_789, %swap3A_790], %gather3A_788 {strides = array<i32>} : memref<8x128xi32, #tpu.memory_space<vmem>>, vector<16xi32>,
        %dma_start3A_792 = arith.constant 0 : i32
        %dma_start3A_793 = tpu.memref_slice %arg6[%and3A_726, %dma_start3A_792] : memref<8x128xi32, #tpu.memory_space<vmem>> -> memref<1x128xi32, #tpu.memory_space<vmem>>
        %dma_start3A_794 = tpu.memref_squeeze %dma_start3A_793 : memref<1x128xi32, #tpu.memory_space<vmem>> -> memref<128xi32, #tpu.memory_space<vmem>>
        %dma_start3A_795 = arith.constant 0 : i32
        %dma_start3A_796 = arith.constant 0 : i32
        %dma_start3A_797 = tpu.memref_slice %arg3[%dma_start3A_795, %dma_start3A_796] : memref<1000000x64xf32, #tpu.memory_space<hbm>> -> memref<1000000x64xf32, #tpu.memory_space<hbm>>
        tpu.enqueue_indirect_dma source(%dma_start3A_797 : memref<1000000x64xf32, #tpu.memory_space<hbm>>) target(%arg7 : memref<128x64xf32, #tpu.memory_space<vmem>>) offsets(%dma_start3A_794 : memref<128xi32, #tpu.memory_space<vmem>>) semaphore(%arg8 : memref<!tpu.dma_semaphore, #tpu.memory_space<semaphore_mem>>) {add = true}
      }
      %scan3A_666 = arith.constant 192 : i32
      %dma_wait3A_667 = arith.constant 0 : i32
      %dma_wait3A_668 = arith.constant 0 : i32
      %dma_wait3A_669 = tpu.memref_slice %arg6[%dma_wait3A_667, %dma_wait3A_668] : memref<8x128xi32, #tpu.memory_space<vmem>> -> memref<1x128xi32, #tpu.memory_space<vmem>>
      %dma_wait3A_670 = tpu.memref_squeeze %dma_wait3A_669 : memref<1x128xi32, #tpu.memory_space<vmem>> -> memref<128xi32, #tpu.memory_space<vmem>>
      %dma_wait3A_671 = arith.constant 0 : i32
      %dma_wait3A_672 = arith.constant 0 : i32
      %dma_wait3A_673 = tpu.memref_slice %arg3[%dma_wait3A_671, %dma_wait3A_672] : memref<1000000x64xf32, #tpu.memory_space<hbm>> -> memref<1000000x64xf32, #tpu.memory_space<hbm>>
      tpu.wait_indirect_dma semaphore(%arg8 : memref<!tpu.dma_semaphore, #tpu.memory_space<semaphore_mem>>) src(%dma_wait3A_673 : memref<1000000x64xf32, #tpu.memory_space<hbm>>) dst(%arg7 : memref<128x64xf32, #tpu.memory_space<vmem>>)
      %dma_wait3A_674 = arith.constant 0 : i32
      %dma_wait3A_675 = arith.constant 0 : i32
      %dma_wait3A_676 = tpu.memref_slice %arg6[%dma_wait3A_674, %dma_wait3A_675] : memref<8x128xi32, #tpu.memory_space<vmem>> -> memref<1x128xi32, #tpu.memory_space<vmem>>
      %dma_wait3A_677 = tpu.memref_squeeze %dma_wait3A_676 : memref<1x128xi32, #tpu.memory_space<vmem>> -> memref<128xi32, #tpu.memory_space<vmem>>
      %dma_wait3A_678 = arith.constant 0 : i32
      %dma_wait3A_679 = arith.constant 0 : i32
      %dma_wait3A_680 = tpu.memref_slice %arg3[%dma_wait3A_678, %dma_wait3A_679] : memref<1000000x64xf32, #tpu.memory_space<hbm>> -> memref<1000000x64xf32, #tpu.memory_space<hbm>>
      tpu.wait_indirect_dma semaphore(%arg8 : memref<!tpu.dma_semaphore, #tpu.memory_space<semaphore_mem>>) src(%dma_wait3A_680 : memref<1000000x64xf32, #tpu.memory_space<hbm>>) dst(%arg7 : memref<128x64xf32, #tpu.memory_space<vmem>>)
      %dma_wait3A_681 = arith.constant 0 : i32
      %dma_wait3A_682 = arith.constant 0 : i32
      %dma_wait3A_683 = tpu.memref_slice %arg6[%dma_wait3A_681, %dma_wait3A_682] : memref<8x128xi32, #tpu.memory_space<vmem>> -> memref<1x128xi32, #tpu.memory_space<vmem>>
      %dma_wait3A_684 = tpu.memref_squeeze %dma_wait3A_683 : memref<1x128xi32, #tpu.memory_space<vmem>> -> memref<128xi32, #tpu.memory_space<vmem>>
      %dma_wait3A_685 = arith.constant 0 : i32
      %dma_wait3A_686 = arith.constant 0 : i32
      %dma_wait3A_687 = tpu.memref_slice %arg3[%dma_wait3A_685, %dma_wait3A_686] : memref<1000000x64xf32, #tpu.memory_space<hbm>> -> memref<1000000x64xf32, #tpu.memory_space<hbm>>
      tpu.wait_indirect_dma semaphore(%arg8 : memref<!tpu.dma_semaphore, #tpu.memory_space<semaphore_mem>>) src(%dma_wait3A_687 : memref<1000000x64xf32, #tpu.memory_space<hbm>>) dst(%arg7 : memref<128x64xf32, #tpu.memory_space<vmem>>)
      %dma_wait3A_688 = arith.constant 0 : i32
      %dma_wait3A_689 = arith.constant 0 : i32
      %dma_wait3A_690 = tpu.memref_slice %arg6[%dma_wait3A_688, %dma_wait3A_689] : memref<8x128xi32, #tpu.memory_space<vmem>> -> memref<1x128xi32, #tpu.memory_space<vmem>>
      %dma_wait3A_691 = tpu.memref_squeeze %dma_wait3A_690 : memref<1x128xi32, #tpu.memory_space<vmem>> -> memref<128xi32, #tpu.memory_space<vmem>>
      %dma_wait3A_692 = arith.constant 0 : i32
      %dma_wait3A_693 = arith.constant 0 : i32
      %dma_wait3A_694 = tpu.memref_slice %arg3[%dma_wait3A_692, %dma_wait3A_693] : memref<1000000x64xf32, #tpu.memory_space<hbm>> -> memref<1000000x64xf32, #tpu.memory_space<hbm>>
      tpu.wait_indirect_dma semaphore(%arg8 : memref<!tpu.dma_semaphore, #tpu.memory_space<semaphore_mem>>) src(%dma_wait3A_694 : memref<1000000x64xf32, #tpu.memory_space<hbm>>) dst(%arg7 : memref<128x64xf32, #tpu.memory_space<vmem>>)
      %dma_wait3A_695 = arith.constant 0 : i32
      %dma_wait3A_696 = arith.constant 0 : i32
      %dma_wait3A_697 = tpu.memref_slice %arg6[%dma_wait3A_695, %dma_wait3A_696] : memref<8x128xi32, #tpu.memory_space<vmem>> -> memref<1x128xi32, #tpu.memory_space<vmem>>
      %dma_wait3A_698 = tpu.memref_squeeze %dma_wait3A_697 : memref<1x128xi32, #tpu.memory_space<vmem>> -> memref<128xi32, #tpu.memory_space<vmem>>
      %dma_wait3A_699 = arith.constant 0 : i32
      %dma_wait3A_700 = arith.constant 0 : i32
      %dma_wait3A_701 = tpu.memref_slice %arg3[%dma_wait3A_699, %dma_wait3A_700] : memref<1000000x64xf32, #tpu.memory_space<hbm>> -> memref<1000000x64xf32, #tpu.memory_space<hbm>>
      tpu.wait_indirect_dma semaphore(%arg8 : memref<!tpu.dma_semaphore, #tpu.memory_space<semaphore_mem>>) src(%dma_wait3A_701 : memref<1000000x64xf32, #tpu.memory_space<hbm>>) dst(%arg7 : memref<128x64xf32, #tpu.memory_space<vmem>>)
      %dma_wait3A_702 = arith.constant 0 : i32
      %dma_wait3A_703 = arith.constant 0 : i32
      %dma_wait3A_704 = tpu.memref_slice %arg6[%dma_wait3A_702, %dma_wait3A_703] : memref<8x128xi32, #tpu.memory_space<vmem>> -> memref<1x128xi32, #tpu.memory_space<vmem>>
      %dma_wait3A_705 = tpu.memref_squeeze %dma_wait3A_704 : memref<1x128xi32, #tpu.memory_space<vmem>> -> memref<128xi32, #tpu.memory_space<vmem>>
      %dma_wait3A_706 = arith.constant 0 : i32
      %dma_wait3A_707 = arith.constant 0 : i32
      %dma_wait3A_708 = tpu.memref_slice %arg3[%dma_wait3A_706, %dma_wait3A_707] : memref<1000000x64xf32, #tpu.memory_space<hbm>> -> memref<1000000x64xf32, #tpu.memory_space<hbm>>
      tpu.wait_indirect_dma semaphore(%arg8 : memref<!tpu.dma_semaphore, #tpu.memory_space<semaphore_mem>>) src(%dma_wait3A_708 : memref<1000000x64xf32, #tpu.memory_space<hbm>>) dst(%arg7 : memref<128x64xf32, #tpu.memory_space<vmem>>)
      %dma_wait3A_709 = arith.constant 0 : i32
      %dma_wait3A_710 = arith.constant 0 : i32
      %dma_wait3A_711 = tpu.memref_slice %arg6[%dma_wait3A_709, %dma_wait3A_710] : memref<8x128xi32, #tpu.memory_space<vmem>> -> memref<1x128xi32, #tpu.memory_space<vmem>>
      %dma_wait3A_712 = tpu.memref_squeeze %dma_wait3A_711 : memref<1x128xi32, #tpu.memory_space<vmem>> -> memref<128xi32, #tpu.memory_space<vmem>>
      %dma_wait3A_713 = arith.constant 0 : i32
      %dma_wait3A_714 = arith.constant 0 : i32
      %dma_wait3A_715 = tpu.memref_slice %arg3[%dma_wait3A_713, %dma_wait3A_714] : memref<1000000x64xf32, #tpu.memory_space<hbm>> -> memref<1000000x64xf32, #tpu.memory_space<hbm>>
      tpu.wait_indirect_dma semaphore(%arg8 : memref<!tpu.dma_semaphore, #tpu.memory_space<semaphore_mem>>) src(%dma_wait3A_715 : memref<1000000x64xf32, #tpu.memory_space<hbm>>) dst(%arg7 : memref<128x64xf32, #tpu.memory_space<vmem>>)
      %mul3A_716 = arith.constant 128 : i32
      %mul3A_717 = arith.muli %add3A_9, %mul3A_716 : i32
      "tpu.region"() ({
        %run_scoped3A = tpu.sem_alloc : memref<!tpu.dma_semaphore, #tpu.memory_space<semaphore_mem>>
        %dma_start3A_718 = arith.constant 0 : i32
        %dma_start3A_719 = tpu.memref_slice %arg4[%mul3A_717, %dma_start3A_718] : memref<16384x64xf32, #tpu.memory_space<hbm>> -> memref<128x64xf32, #tpu.memory_space<hbm>>
        %dma_start3A_720 = arith.constant 0 : i32
        %dma_start3A_721 = tpu.memref_slice %arg4[%mul3A_717, %dma_start3A_720] : memref<16384x64xf32, #tpu.memory_space<hbm>> -> memref<128x64xf32, #tpu.memory_space<hbm>>
        tpu.enqueue_dma source(%arg7 : memref<128x64xf32, #tpu.memory_space<vmem>>) target(%dma_start3A_721 : memref<128x64xf32, #tpu.memory_space<hbm>>) target_semaphore(%run_scoped3A : memref<!tpu.dma_semaphore, #tpu.memory_space<semaphore_mem>>)
        %dma_wait3A_722 = arith.constant 0 : i32
        %dma_wait3A_723 = tpu.memref_slice %arg4[%mul3A_717, %dma_wait3A_722] : memref<16384x64xf32, #tpu.memory_space<hbm>> -> memref<128x64xf32, #tpu.memory_space<hbm>>
        %dma_wait3A_724 = arith.constant 0 : i32
        %dma_wait3A_725 = tpu.memref_slice %arg4[%mul3A_717, %dma_wait3A_724] : memref<16384x64xf32, #tpu.memory_space<hbm>> -> memref<128x64xf32, #tpu.memory_space<hbm>>
        tpu.wait_dma2 semaphore(%run_scoped3A : memref<!tpu.dma_semaphore, #tpu.memory_space<semaphore_mem>>) src(%arg7 : memref<128x64xf32, #tpu.memory_space<vmem>>) dst(%dma_wait3A_725 : memref<128x64xf32, #tpu.memory_space<hbm>>)
        tpu.yield
      }) : () -> ()
    }
    %scan3A_5 = arith.constant 4 : i32
    return
  }
}

</mosaic_0001>

<sc_bundles>
// kernel: _pool.3.cloned.1.call-start
scs
__scs_entry_jumppad:
0x0: {  	(pc) =	sbr.rel $0x88, $3  }
0x1: {  	(tag) =	ssettag $0x0;
	lr =	simm.s32 $0x1  }
0x2: {  	[smem:$0x3F9F] =	sst lr;
	_ =	strace $0xD0000000  }
0x3: {  	_ = 	snop  }
0x4: {  	_ = 	snop  }
0x5: {  	_ = 	snop  }
0x6: {  	_ = 	snop  }
0x7: {  	_ = 	snop  }
__scs_overlays_trampoline_lowered:
0x8: {  	[smem:$0x3FAE] =	sst s0  }
0x9: {  	[smem:$0x3FAF] =	sst s1  }
0xa: {  	[smem:$0x3FB0] =	sst s2  }
0xb: {  	[smem:$0x3FB1] =	sst s3  }
0xc: {  	[smem:$0x3FB2] =	sst s4  }
0xd: {  	[smem:$0x3FB3] =	sst s5  }
0xe: {  	[smem:$0x3FB4] =	sst s6  }
0xf: {  	[smem:$0x3FB5] =	sst s7  }
0x10: {  	[smem:$0x3FB6] =	sst s8  }
0x11: {  	[smem:$0x3FB7] =	sst s9;
	s0 =	simm.s32 @!p0 $0x0  }
0x12: {  	s1 =	sld [smem:$0x3F9D];
	s0 =	simm.s32 @p0 $0x1  }
0x13: {  	[smem:$0x3FB8] =	sst s0;
	s0 =	simm.s32 @!p1 $0x0  }
0x14: {  	s2 =	sld [smem:$0x3F9C];
	s0 =	simm.s32 @p1 $0x1  }
0x15: {  	[smem:$0x3FB9] =	sst s0;
	s0 =	simm.s32 @!p2 $0x0  }
0x16: {  	s3 =	sld [smem:$0x3FDB];
	s0 =	simm.s32 @p2 $0x1  }
0x17: {  	s4 =	simm.s32 $0x1BF5;
	[smem:$0x3FBB] =	sst s0  }
0x18: {  	s0 =	sld [smem:$0x3F9E];
	_ =	swait.ge [sflag:s4], $0x0  }
0x19: {  	s7 =	sld [smem:$0x3F9F]  }
0x1a: {  	s8 =	sadd.s32 $0xFFFFE003, lr  }
0x1b: {  	s9 =	sadd.s32 $0xFFFFFEF7, lr;
	s5 =	simm.s32 $0xFFFFFFFF;
	p2 =	slt.u32 s8, $0xFFFFF086  }
0x1c: {  	p1 =	slt.u32 s9, $0xF7A;
	s5 =	simm.s32 @!p2 $0x0  }
0x1d: {  	s5 =	simm.s32 @p1 $0x1;
	p0 =	seq.s32 s7, s2  }
0x1e: {  	s7 =	smul.u32 @!p0 $0xF7A, s2;
	p2 =	seq.s32 @!p0 s5, $0x0  }
0x1f: {  	s9 =	smul.u32 $0xF7A, s1;
	s8 =	simm.s32 @!p0 $0x1BF5;
	p2 =	por !p2, p0  }
0x20: {  	[sflag:s8] =	ssyncset.s32 @!p0 $0xFFFFF086;
	s6 =	sadd.s32 @!p0 s3, s7;
	s7 =	simm.s32 @!p0 $0x108  }
0x21: {  	s3 =	sadd.s32 s3, s9;
	s6 =	sadd.s32 @!p0 $0x88, s6;
	s7 =	simm.s32 @p2 $0x1082  }
0x22: {  	[simem:s7], [sflag:s8] =	dma.local @!p0 [hbm:s6], $0xF7A  }
0x23: {  	s9 =	sor.u32 $0xD0000000, s2;
	s6 =	simm.s32 $0x108;
	_ =	swait.ge @!p0 [sflag:s8], $0x0  }
0x24: {  	s3 =	sadd.s32 $0x88, s3;
	s6 =	simm.s32 @!p1 $0x1082;
	[sflag:s4] =	ssyncset.s32 $0xFFFFF086  }
0x25: {  	[simem:s6], [sflag:s4] =	dma.local [hbm:s3], $0xF7A  }
0x26: {  	[smem:$0x3F9F] =	sst s1;
	(tag) =	ssettag s2;
	_ =	strace s9  }
0x27: {  	s1 =	sld [smem:$0x3FAF]  }
0x28: {  	s2 =	sld [smem:$0x3FB0]  }
0x29: {  	s4 =	sld [smem:$0x3FB2]  }
0x2a: {  	p0 =	seq.s32 s5, $0x0;
	s5 =	sld [smem:$0x3FB3]  }
0x2b: {  	s6 =	sld [smem:$0x3FB4]  }
0x2c: {  	s7 =	sld [smem:$0x3FB5]  }
0x2d: {  	s3 =	simm.s32 $0x108;
	s8 =	sld [smem:$0x3FB6]  }
0x2e: {  	s3 =	simm.s32 @!p0 $0x1082;
	s9 =	sld [smem:$0x3FB7]  }
0x2f: {  	lr =	sadd.s32 s0, s3;
	s0 =	sld [smem:$0x3FAE]  }
0x30: {  	s3 =	sld [smem:$0x3FB1]  }
0x31: {  	[smem:$0x3FBA] =	sst s10  }
0x32: {  	s10 =	sld [smem:$0x3FB8];
	_ =	sdelay $0x3  }
0x33: {  	p0 =	seq.s32 s10, $0x1;
	s10 =	sld [smem:$0x3FBA];
	_ =	sdelay $0x3  }
0x34: {  	[smem:$0x3FBA] =	sst s10  }
0x35: {  	s10 =	sld [smem:$0x3FB9];
	_ =	sdelay $0x3  }
0x36: {  	p1 =	seq.s32 s10, $0x1;
	s10 =	sld [smem:$0x3FBA];
	_ =	sdelay $0x3  }
0x37: {  	[smem:$0x3FBA] =	sst s10  }
0x38: {  	s10 =	sld [smem:$0x3FBB]  }
0x39: {  	_ = 	snop;
	(pc) =	sbr.ind lr, $3  }
0x3a: {  	_ = 	snop  }
0x3b: {  	_ = 	snop  }
0x3c: {  	p2 =	seq.s32 s10, $0x1;
	s10 =	sld [smem:$0x3FBA]  }
0x3d: {  	_ =	shalt  }
0x3e: {  	_ =	shalt  }
0x3f: {  	_ =	shalt  }
0x40: {  	_ =	shalt  }
0x41: {  	_ =	shalt  }
0x42: {  	_ =	shalt  }
0x43: {  	_ =	shalt  }
0x44: {  	_ =	shalt  }
0x45: {  	_ =	shalt  }
0x46: {  	_ =	shalt  }
0x47: {  	_ =	shalt  }
0x48: {  	_ =	shalt  }
0x49: {  	_ =	shalt  }
0x4a: {  	_ =	shalt  }
0x4b: {  	_ =	shalt  }
0x4c: {  	_ =	shalt  }
0x4d: {  	_ =	shalt  }
0x4e: {  	_ =	shalt  }
0x4f: {  	_ =	shalt  }
0x50: {  	_ =	shalt  }
0x51: {  	_ =	shalt  }
0x52: {  	_ =	shalt  }
0x53: {  	_ =	shalt  }
0x54: {  	_ =	shalt  }
0x55: {  	_ =	shalt  }
0x56: {  	_ =	shalt  }
0x57: {  	_ =	shalt  }
0x58: {  	_ =	shalt  }
0x59: {  	_ =	shalt  }
0x5a: {  	_ =	shalt  }
0x5b: {  	_ =	shalt  }
0x5c: {  	_ =	shalt  }
0x5d: {  	_ =	shalt  }
0x5e: {  	_ =	shalt  }
0x5f: {  	_ =	shalt  }
0x60: {  	_ =	shalt  }
0x61: {  	_ =	shalt  }
0x62: {  	_ =	shalt  }
0x63: {  	_ =	shalt  }
0x64: {  	_ =	shalt  }
0x65: {  	_ =	shalt  }
0x66: {  	_ =	shalt  }
0x67: {  	_ =	shalt  }
0x68: {  	_ =	shalt  }
0x69: {  	_ =	shalt  }
0x6a: {  	_ =	shalt  }
0x6b: {  	_ =	shalt  }
0x6c: {  	_ =	shalt  }
0x6d: {  	_ =	shalt  }
0x6e: {  	_ =	shalt  }
0x6f: {  	_ =	shalt  }
0x70: {  	_ =	shalt  }
0x71: {  	_ =	shalt  }
0x72: {  	_ =	shalt  }
0x73: {  	_ =	shalt  }
0x74: {  	_ =	shalt  }
0x75: {  	_ =	shalt  }
0x76: {  	_ =	shalt  }
0x77: {  	_ =	shalt  }
0x78: {  	_ =	shalt  }
0x79: {  	_ =	shalt  }
0x7a: {  	_ =	shalt  }
0x7b: {  	_ =	shalt  }
0x7c: {  	_ =	shalt  }
0x7d: {  	_ =	shalt  }
0x7e: {  	_ =	shalt  }
0x7f: {  	_ =	shalt  }
0x80: {  	_ =	shalt  }
0x81: {  	_ =	shalt  }
0x82: {  	_ =	shalt  }
0x83: {  	_ =	shalt  }
0x84: {  	_ =	shalt  }
0x85: {  	_ =	shalt  }
0x86: {  	_ =	shalt  }
0x87: {  	_ =	shalt  }
.Lfunc_end0:
.L_simem_size_0:
called_computation_lowered:
.L_overlay_start_0:
0x88: {  	s2 =	sld [smem:$0x3FD9]  }
0x89: {  	s3 =	sld [smem:$0x3FFE];
	_ =	sdelay $0x1  }
0x8a: {  	s1 =	srdreg.scid  }
0x8b: {  	s0 =	sand.u32 $0x1, s1  }
0x8c: {  	s17 =	sshll.u32 s0, $0xA;
	s2 =	sadd.s32 s3, s2  }
0x8d: {  	s2 =	sadd.s32 s2, s17  }
0x8e: {  	[smem:$0x3FC6] =	sst s2  }
0x8f: {  	_ = 	snop  }
0x90: {  	s2 =	sld [smem:$0x3FD0];
	(tm) =	ssettm $0x1  }
0x91: {  	s18 =	sld [smem:$0x3FFB];
	_ =	sdelay $0x3  }
0x92: {  	_ =	strace s18  }
0x93: {  	s3 =	sld [smem:$0x3FFC];
	_ =	sdelay $0x3  }
0x94: {  	_ =	strace s3  }
0x95: {  	s3 =	sld [smem:$0x3FFD];
	_ =	sdelay $0x3  }
0x96: {  	_ =	strace s3  }
0x97: {  	_ =	strace $0x8FFFFFFF  }
0x98: {  	s19 =	sld [smem:$0x3FDB];
	_ =	sdelay $0x1  }
0x99: {  	s4 =	simm.s32 $_scs_section_size  }
0x9a: {  	s5 =	simm.s32 $_size__tile_overlayer_lowered;
	s6 =	simm.s32 $_tile_overlayer_lowered  }
0x9b: {  	s22 =	simm.s32 $0x1BFF;
	s21 =	sshll.u32 s6, $0x1;
	s3 =	sadd.s32 s4, s19  }
0x9c: {  	s7 =	simm.s32 $0x0;
	s20 =	sshll.u32 s5, $0x1;
	s5 =	sadd.s32 s21, s3  }
0x9d: {  	[timem:s7], [sflag:s22] =	dma.local [hbm:s5], s20  }
0x9e: {  	_ =	swait.ge [sflag:s22], s20  }
0x9f: {  	s4 =	ssub.s32 $0x0, s20;
	[sflag:s22] =	ssyncset.done $0x0  }
0xa0: {  	[sflag:s22] =	ssyncadd.s32 s4;
	_ =	sdelay $0x1  }
0xa1: {  	s23 =	simm.s32 $0x1B8B  }
0xa2: {  	_ =	swait.ge [sflag:s23], $0x1  }
0xa3: {  	[sflag:s23] =	ssyncset.done $0x0  }
0xa4: {  	s25 =	simm.s32 $0x1B8E;
	s24 =	sld [smem:$0x3FFE];
	[sflag:s23] =	ssyncadd.s32 $0xFFFFFFFF  }
0xa5: {  	s26 =	simm.s32 $execute0_lowered;
	[smem:$0x3FD2] =	sst s25  }
0xa6: {  	s5 =	sshll.u32 s26, $0x1;
	_ =	strace $0x80000046;
	[dreg:$0x1] =	wrdreg $0xFFFFFFFF  }
0xa7: {  	s28 =	simm.s32 $_size_execute0_lowered;
	s3 =	sadd.s32 s3, s5;
	[dreg:$0x0] =	wrdreg $0x0  }
0xa8: {  	s5 =	sshll.u32 s28, $0x1;
	[dreg:$0x2] =	wrdreg s3  }
0xa9: {  	[dreg:$0x3] =	wrdreg s5  }
0xaa: {  	[dreg:$0x4] =	wrdreg $0xC0  }
0xab: {  	_ =	task [dreg:s7], $0x5FFFF  }
0xac: {  	[dreg:$0x1] =	wrdreg $0xFFFFFFFF  }
0xad: {  	[dreg:$0x0] =	wrdreg $0x60  }
0xae: {  	[dreg:$0x2] =	wrdreg s24  }
0xaf: {  	[dreg:$0x3] =	wrdreg s2  }
0xb0: {  	[dreg:$0x4] =	wrdreg $0x9  }
0xb1: {  	_ =	task.clear_ibuf [dreg:s7], $0x5FFFF;
	_ =	strace $0x90000046  }
0xb2: {  	s29 =	simm.s32 $0x9;
	_ =	strace $0x80000048  }
0xb3: {  	_ =	swait.ge [sflag:s29], $0x1  }
0xb4: {  	[sflag:s29] =	ssyncadd.s32 $0xFFFFFFFF  }
0xb5: {  	_ =	strace $0x90000048  }
0xb6: {  	_ =	sfence  }
0xb7: {  	s30 =	sld [smem:$0x0];
	_ =	sdelay $0x2  }
0xb8: {  	s31 =	sshll.u32 s1, $0xD;
	s1 =	sshrl.u32 s1, $0x2  }
0xb9: {  	s3 =	sand.u32 $0x4000, s31;
	s1 =	sadd.s32 s1, s30  }
0xba: {  	s0 =	sor.u32 s3, s0;
	s1 =	sshll.u32 s1, $0x11  }
0xbb: {  	s0 =	sor.u32 s1, s0  }
0xbc: {  	s0 =	sadd.s32 $0x8F2B, s0  }
0xbd: {  	[sflag:s0] =	ssyncadd.remote.s32 $0x1  }
0xbe: {  	_ =	sfence.sel $0xFFFF  }
0xbf: {  	[dreg:$0x0] =	wrdreg $0xFFFFFFFF;
	(pc) =	sbr.abs _section_cstart, $3  }
0xc0: {  	[dreg:$0x1] =	wrdreg $0xFFFFFFFF  }
0xc1: {  	_ =	task.clear_ibuf [dreg:s7], $0x2FFFF;
	_ =	strace $0x9FFFFFFF  }
0xc2: {  	(tm) =	ssettm $0x7FFFFFFF  }
0xc3: {  	_ =	shalt  }
tec
execute0_lowered:
.L_overlay_start_1:
0x0: {  	(tag) =	ssettag $0x1  }
0x1: {  	v0 =	vlaneseq.u32  }
0x2: {  	v0 =	vmul.u32 $0xC8, v0;
	_ =	sdelay $0x1  }
0x3: {  	v1 =	vadd.s32 $0xC80, v0;
	v2 =	vadd.s32 $0x1900, v0;
	v3 =	vadd.s32 $0x2580, v0  }
0x4: {  	v4 =	vadd.s32 $0x3200, v0;
	v5 =	vadd.s32 $0x3E80, v0;
	v6 =	vadd.s32 $0x4B00, v0  }
0x5: {  	v7 =	vadd.s32 $0x5780, v0;
	v8 =	vor.u32 $0x1, v0;
	v11 =	vadd.s32 $0x2581, v0  }
0x6: {  	v12 =	vadd.s32 $0x3201, v0;
	v13 =	vadd.s32 $0x3E81, v0;
	v14 =	vadd.s32 $0x4B01, v0  }
0x7: {  	v15 =	vadd.s32 $0x5781, v0;
	v16 =	vor.u32 $0x2, v0;
	v17 =	vadd.s32 $0xC82, v0  }
0x8: {  	v18 =	vadd.s32 $0x1902, v0;
	v19 =	vadd.s32 $0x2582, v0;
	v20 =	vadd.s32 $0x3202, v0  }
0x9: {  	v21 =	vadd.s32 $0x3E82, v0;
	v22 =	vadd.s32 $0x4B02, v0;
	v23 =	vadd.s32 $0x5782, v0  }
0xa: {  	v24 =	vor.u32 $0x3, v0;
	v25 =	vadd.s32 $0xC83, v0;
	v26 =	vadd.s32 $0x1903, v0  }
0xb: {  	v27 =	vadd.s32 $0x2583, v0;
	v28 =	vadd.s32 $0x3203, v0;
	v29 =	vadd.s32 $0x3E83, v0  }
0xc: {  	s4 =	rddreg [dreg:$0x0];
	v30 =	vadd.s32 $0x4B03, v0;
	v31 =	vadd.s32 $0x5783, v0;
	v32 =	vor.u32 $0x4, v0  }
0xd: {  	s1 =	rddreg [dreg:$0x1];
	v33 =	vadd.s32 $0xC84, v0;
	v34 =	vadd.s32 $0x1904, v0;
	v35 =	vadd.s32 $0x2584, v0  }
0xe: {  	s0 =	rddreg [dreg:$0x2];
	s2 =	simm.s32 $0x0;
	v36 =	vadd.s32 $0x3204, v0;
	v37 =	vadd.s32 $0x3E84, v0;
	v38 =	vadd.s32 $0x4B04, v0  }
0xf: {  	s3 =	srdreg.scid;
	s9 =	simm.s32 $0x80;
	s10 =	simm.s32 $0x6400;
	v39 =	vadd.s32 $0x5784, v0;
	v40 =	vor.u32 $0x5, v0;
	v41 =	vadd.s32 $0xC85, v0  }
0x10: {  	s11 =	simm.s32 $0x6800;
	s12 =	simm.s32 $0x1;
	s13 =	simm.s32 $0x6480;
	v42 =	vadd.s32 $0x1905, v0;
	v43 =	vadd.s32 $0x2585, v0;
	v44 =	vadd.s32 $0x3205, v0  }
0x11: {  	s14 =	simm.s32 $0x6500;
	s15 =	simm.s32 $0x6580;
	s16 =	simm.s32 $0x6600;
	v45 =	vadd.s32 $0x3E85, v0;
	v46 =	vadd.s32 $0x4B05, v0;
	v47 =	vadd.s32 $0x5785, v0  }
0x12: {  	s17 =	simm.s32 $0x6680;
	s18 =	simm.s32 $0x6700;
	s19 =	simm.s32 $0x6780;
	v48 =	vor.u32 $0x6, v0;
	v49 =	vadd.s32 $0xC86, v0;
	v50 =	vadd.s32 $0x1906, v0  }
0x13: {  	s20 =	simm.s32 $0x0;
	s6 =	sand.u32 $0x1, s3;
	s3 =	sadd.s32 $0x600, s4;
	v51 =	vadd.s32 $0x2586, v0;
	v52 =	vadd.s32 $0x3206, v0;
	v53 =	vadd.s32 $0x3E86, v0  }
0x14: {  	s5 =	sadd.s32 $0xF42A00, s4;
	s4 =	stileid.u32;
	s7 =	ssub.s32 $0x2, s6;
	v54 =	vadd.s32 $0x4B06, v0;
	v55 =	vadd.s32 $0x5786, v0;
	[tilespmem:$0x1FFD0] =	vst v8;
	v8 =	vadd.s32 $0xC81, v0  }
0x15: {  	s31 =	sshll.u32 s4, $0x3;
	s6 =	sshll.u32 s6, $0x2;
	s8 =	sshrl.u32 s7, $0x1;
	v56 =	vor.u32 $0x7, v0;
	v57 =	vadd.s32 $0xC87, v0;
	[tilespmem:$0x1FFE0] =	vst v8;
	v8 =	vadd.s32 $0x1901, v0  }
0x16: {  	[smem:$0x7FF] =	sst s2;
	s6 =	sor.u32 s6, s31;
	v58 =	vadd.s32 $0x1907, v0;
	v59 =	vadd.s32 $0x2587, v0;
	v60 =	vadd.s32 $0x3207, v0;
	s7 =	ssub.s32 s7, s8;
	[tilespmem:$0x1FFF0] =	vst v8  }
0x17: {  	v61 =	vadd.s32 $0x3E87, v0;
	v62 =	vadd.s32 $0x4B07, v0;
	v63 =	vadd.s32 $0x5787, v0;
	s8 =	simm.s32 $0x2;
	s7 =	smax.u32 s7, $0x1;
	_ =	strace $0x80000047  }
.LBB2_1:
0x18: {  	s21 =	simm.s32 $0x0  }
.LBB2_2:
0x19: {  	s22 =	sadd.s32 s6, s21  }
0x1a: {  	s23 =	smul.u32 $0xC80, s22;
	_ =	sdelay $0x1  }
0x1b: {  	s23 =	sadd.s32 s3, s23  }
0x1c: {  	[tilespmem:s2], [sflag:$0x2] =	stream.linear.gather [hbm4b:s23+s2], $0x6400, $0x38;
	[tilespmem:$0x8800] =	vst v63  }
0x1d: {  	_ =	swait.ge [sflag:s8], $0x6400  }
0x1e: {  	[sflag:s8] =	ssyncset.done $0x0  }
0x1f: {  	[sflag:s8] =	ssyncadd.s32 $0xFFFF9C00  }
0x20: {  	v8 =	vld.idx.msk [tilespmem:v0+s2+$0x0], $0xffff;
	_ =	sdelay $0x4  }
0x21: {  	[tilespmem:$0x6400] =	vst v8  }
0x22: {  	v8 =	vld.idx.msk [tilespmem:v1+s2+$0x0], $0xffff;
	_ =	sdelay $0x4  }
0x23: {  	[tilespmem:$0x6410] =	vst v8  }
0x24: {  	v8 =	vld.idx.msk [tilespmem:v2+s2+$0x0], $0xffff;
	_ =	sdelay $0x4  }
0x25: {  	[tilespmem:$0x6420] =	vst v8  }
0x26: {  	v8 =	vld.idx.msk [tilespmem:v3+s2+$0x0], $0xffff;
	_ =	sdelay $0x4  }
0x27: {  	[tilespmem:$0x6430] =	vst v8  }
0x28: {  	v8 =	vld.idx.msk [tilespmem:v4+s2+$0x0], $0xffff;
	_ =	sdelay $0x4  }
0x29: {  	[tilespmem:$0x6440] =	vst v8  }
0x2a: {  	v8 =	vld.idx.msk [tilespmem:v5+s2+$0x0], $0xffff;
	_ =	sdelay $0x4  }
0x2b: {  	[tilespmem:$0x6450] =	vst v8  }
0x2c: {  	v8 =	vld.idx.msk [tilespmem:v6+s2+$0x0], $0xffff;
	_ =	sdelay $0x4  }
0x2d: {  	[tilespmem:$0x6460] =	vst v8  }
0x2e: {  	v8 =	vld.idx.msk [tilespmem:v7+s2+$0x0], $0xffff;
	_ =	sdelay $0x4  }
0x2f: {  	[tilespmem:$0x6470] =	vst v8  }
0x30: {  	[tilespmem:s11], [sflag:$0x1] =	stream.indirect.gather [hbm4b:s5+s9], $0x40, s10, s9, $0xb8;
	[tilespmem:$0x8800] =	vst v63  }
0x31: {  	_ =	swait.ge [sflag:s12], $0x2000  }
0x32: {  	v8 =	vld [tilespmem:$0x1FFD0];
	_ =	sdelay $0x5  }
0x33: {  	[sflag:s12] =	ssyncset.done $0x0  }
0x34: {  	[sflag:s12] =	ssyncadd.s32 $0xFFFFE000  }
0x35: {  	v8 =	vld.idx.msk [tilespmem:v8+s2+$0x0], $0xffff;
	_ =	sdelay $0x4  }
0x36: {  	[tilespmem:$0x6480] =	vst v8;
	v8 =	vld [tilespmem:$0x1FFE0];
	_ =	sdelay $0x7  }
0x37: {  	v8 =	vld.idx.msk [tilespmem:v8+s2+$0x0], $0xffff;
	_ =	sdelay $0x4  }
0x38: {  	[tilespmem:$0x6490] =	vst v8;
	v8 =	vld [tilespmem:$0x1FFF0];
	_ =	sdelay $0x7  }
0x39: {  	v8 =	vld.idx.msk [tilespmem:v8+s2+$0x0], $0xffff;
	_ =	sdelay $0x4  }
0x3a: {  	[tilespmem:$0x64A0] =	vst v8  }
0x3b: {  	v8 =	vld.idx.msk [tilespmem:v11+s2+$0x0], $0xffff;
	_ =	sdelay $0x4  }
0x3c: {  	[tilespmem:$0x64B0] =	vst v8  }
0x3d: {  	v8 =	vld.idx.msk [tilespmem:v12+s2+$0x0], $0xffff;
	_ =	sdelay $0x4  }
0x3e: {  	[tilespmem:$0x64C0] =	vst v8  }
0x3f: {  	v8 =	vld.idx.msk [tilespmem:v13+s2+$0x0], $0xffff;
	_ =	sdelay $0x4  }
0x40: {  	[tilespmem:$0x64D0] =	vst v8  }
0x41: {  	v8 =	vld.idx.msk [tilespmem:v14+s2+$0x0], $0xffff;
	_ =	sdelay $0x4  }
0x42: {  	[tilespmem:$0x64E0] =	vst v8  }
0x43: {  	v8 =	vld.idx.msk [tilespmem:v15+s2+$0x0], $0xffff;
	_ =	sdelay $0x4  }
0x44: {  	[tilespmem:$0x64F0] =	vst v8  }
0x45: {  	[tilespmem:s11], [sflag:$0x1] =	stream.indirect.gather.add.f32 [hbm:s5], $0x40, s13, s9, $0xb8;
	[tilespmem:$0x8800] =	vst v63  }
0x46: {  	v8 =	vld.idx.msk [tilespmem:v16+s2+$0x0], $0xffff;
	_ =	sdelay $0x4  }
0x47: {  	[tilespmem:$0x6500] =	vst v8  }
0x48: {  	v8 =	vld.idx.msk [tilespmem:v17+s2+$0x0], $0xffff;
	_ =	sdelay $0x4  }
0x49: {  	[tilespmem:$0x6510] =	vst v8  }
0x4a: {  	v8 =	vld.idx.msk [tilespmem:v18+s2+$0x0], $0xffff;
	_ =	sdelay $0x4  }
0x4b: {  	[tilespmem:$0x6520] =	vst v8  }
0x4c: {  	v8 =	vld.idx.msk [tilespmem:v19+s2+$0x0], $0xffff;
	_ =	sdelay $0x4  }
0x4d: {  	[tilespmem:$0x6530] =	vst v8  }
0x4e: {  	v8 =	vld.idx.msk [tilespmem:v20+s2+$0x0], $0xffff;
	_ =	sdelay $0x4  }
0x4f: {  	[tilespmem:$0x6540] =	vst v8  }
0x50: {  	v8 =	vld.idx.msk [tilespmem:v21+s2+$0x0], $0xffff;
	_ =	sdelay $0x4  }
0x51: {  	[tilespmem:$0x6550] =	vst v8  }
0x52: {  	v8 =	vld.idx.msk [tilespmem:v22+s2+$0x0], $0xffff;
	_ =	sdelay $0x4  }
0x53: {  	[tilespmem:$0x6560] =	vst v8  }
0x54: {  	v8 =	vld.idx.msk [tilespmem:v23+s2+$0x0], $0xffff;
	_ =	sdelay $0x4  }
0x55: {  	[tilespmem:$0x6570] =	vst v8  }
0x56: {  	[tilespmem:s11], [sflag:$0x1] =	stream.indirect.gather.add.f32 [hbm:s5], $0x40, s14, s9, $0xb8;
	[tilespmem:$0x8800] =	vst v63  }
0x57: {  	v8 =	vld.idx.msk [tilespmem:v24+s2+$0x0], $0xffff;
	_ =	sdelay $0x4  }
0x58: {  	[tilespmem:$0x6580] =	vst v8  }
0x59: {  	v8 =	vld.idx.msk [tilespmem:v25+s2+$0x0], $0xffff;
	_ =	sdelay $0x4  }
0x5a: {  	[tilespmem:$0x6590] =	vst v8  }
0x5b: {  	v8 =	vld.idx.msk [tilespmem:v26+s2+$0x0], $0xffff;
	_ =	sdelay $0x4  }
0x5c: {  	[tilespmem:$0x65A0] =	vst v8  }
0x5d: {  	v8 =	vld.idx.msk [tilespmem:v27+s2+$0x0], $0xffff;
	_ =	sdelay $0x4  }
0x5e: {  	[tilespmem:$0x65B0] =	vst v8  }
0x5f: {  	v8 =	vld.idx.msk [tilespmem:v28+s2+$0x0], $0xffff;
	_ =	sdelay $0x4  }
0x60: {  	[tilespmem:$0x65C0] =	vst v8  }
0x61: {  	v8 =	vld.idx.msk [tilespmem:v29+s2+$0x0], $0xffff;
	_ =	sdelay $0x4  }
0x62: {  	[tilespmem:$0x65D0] =	vst v8  }
0x63: {  	v8 =	vld.idx.msk [tilespmem:v30+s2+$0x0], $0xffff;
	_ =	sdelay $0x4  }
0x64: {  	[tilespmem:$0x65E0] =	vst v8  }
0x65: {  	v8 =	vld.idx.msk [tilespmem:v31+s2+$0x0], $0xffff;
	_ =	sdelay $0x4  }
0x66: {  	[tilespmem:$0x65F0] =	vst v8  }
0x67: {  	[tilespmem:s11], [sflag:$0x1] =	stream.indirect.gather.add.f32 [hbm:s5], $0x40, s15, s9, $0xb8;
	[tilespmem:$0x8800] =	vst v63  }
0x68: {  	v8 =	vld.idx.msk [tilespmem:v32+s2+$0x0], $0xffff;
	_ =	sdelay $0x4  }
0x69: {  	[tilespmem:$0x6600] =	vst v8  }
0x6a: {  	v8 =	vld.idx.msk [tilespmem:v33+s2+$0x0], $0xffff;
	_ =	sdelay $0x4  }
0x6b: {  	[tilespmem:$0x6610] =	vst v8  }
0x6c: {  	v8 =	vld.idx.msk [tilespmem:v34+s2+$0x0], $0xffff;
	_ =	sdelay $0x4  }
0x6d: {  	[tilespmem:$0x6620] =	vst v8  }
0x6e: {  	v8 =	vld.idx.msk [tilespmem:v35+s2+$0x0], $0xffff;
	_ =	sdelay $0x4  }
0x6f: {  	[tilespmem:$0x6630] =	vst v8  }
0x70: {  	v8 =	vld.idx.msk [tilespmem:v36+s2+$0x0], $0xffff;
	_ =	sdelay $0x4  }
0x71: {  	[tilespmem:$0x6640] =	vst v8  }
0x72: {  	v8 =	vld.idx.msk [tilespmem:v37+s2+$0x0], $0xffff;
	_ =	sdelay $0x4  }
0x73: {  	[tilespmem:$0x6650] =	vst v8  }
0x74: {  	v8 =	vld.idx.msk [tilespmem:v38+s2+$0x0], $0xffff;
	_ =	sdelay $0x4  }
0x75: {  	[tilespmem:$0x6660] =	vst v8  }
0x76: {  	v8 =	vld.idx.msk [tilespmem:v39+s2+$0x0], $0xffff;
	_ =	sdelay $0x4  }
0x77: {  	[tilespmem:$0x6670] =	vst v8  }
0x78: {  	[tilespmem:s11], [sflag:$0x1] =	stream.indirect.gather.add.f32 [hbm:s5], $0x40, s16, s9, $0xb8;
	[tilespmem:$0x8800] =	vst v63  }
0x79: {  	v8 =	vld.idx.msk [tilespmem:v40+s2+$0x0], $0xffff;
	_ =	sdelay $0x4  }
0x7a: {  	[tilespmem:$0x6680] =	vst v8  }
0x7b: {  	v8 =	vld.idx.msk [tilespmem:v41+s2+$0x0], $0xffff;
	_ =	sdelay $0x4  }
0x7c: {  	[tilespmem:$0x6690] =	vst v8  }
0x7d: {  	v8 =	vld.idx.msk [tilespmem:v42+s2+$0x0], $0xffff;
	_ =	sdelay $0x4  }
0x7e: {  	[tilespmem:$0x66A0] =	vst v8  }
0x7f: {  	v8 =	vld.idx.msk [tilespmem:v43+s2+$0x0], $0xffff;
	_ =	sdelay $0x4  }
0x80: {  	[tilespmem:$0x66B0] =	vst v8  }
0x81: {  	v8 =	vld.idx.msk [tilespmem:v44+s2+$0x0], $0xffff;
	_ =	sdelay $0x4  }
0x82: {  	[tilespmem:$0x66C0] =	vst v8  }
0x83: {  	v8 =	vld.idx.msk [tilespmem:v45+s2+$0x0], $0xffff;
	_ =	sdelay $0x4  }
0x84: {  	[tilespmem:$0x66D0] =	vst v8  }
0x85: {  	v8 =	vld.idx.msk [tilespmem:v46+s2+$0x0], $0xffff;
	_ =	sdelay $0x4  }
0x86: {  	[tilespmem:$0x66E0] =	vst v8  }
0x87: {  	v8 =	vld.idx.msk [tilespmem:v47+s2+$0x0], $0xffff;
	_ =	sdelay $0x4  }
0x88: {  	[tilespmem:$0x66F0] =	vst v8  }
0x89: {  	[tilespmem:s11], [sflag:$0x1] =	stream.indirect.gather.add.f32 [hbm:s5], $0x40, s17, s9, $0xb8;
	[tilespmem:$0x8800] =	vst v63  }
0x8a: {  	v8 =	vld.idx.msk [tilespmem:v48+s2+$0x0], $0xffff;
	_ =	sdelay $0x4  }
0x8b: {  	[tilespmem:$0x6700] =	vst v8  }
0x8c: {  	v8 =	vld.idx.msk [tilespmem:v49+s2+$0x0], $0xffff;
	_ =	sdelay $0x4  }
0x8d: {  	[tilespmem:$0x6710] =	vst v8  }
0x8e: {  	v8 =	vld.idx.msk [tilespmem:v50+s2+$0x0], $0xffff;
	_ =	sdelay $0x4  }
0x8f: {  	[tilespmem:$0x6720] =	vst v8  }
0x90: {  	v8 =	vld.idx.msk [tilespmem:v51+s2+$0x0], $0xffff;
	_ =	sdelay $0x4  }
0x91: {  	[tilespmem:$0x6730] =	vst v8  }
0x92: {  	v8 =	vld.idx.msk [tilespmem:v52+s2+$0x0], $0xffff;
	_ =	sdelay $0x4  }
0x93: {  	[tilespmem:$0x6740] =	vst v8  }
0x94: {  	v8 =	vld.idx.msk [tilespmem:v53+s2+$0x0], $0xffff;
	_ =	sdelay $0x4  }
0x95: {  	[tilespmem:$0x6750] =	vst v8  }
0x96: {  	v8 =	vld.idx.msk [tilespmem:v54+s2+$0x0], $0xffff;
	_ =	sdelay $0x4  }
0x97: {  	[tilespmem:$0x6760] =	vst v8  }
0x98: {  	v8 =	vld.idx.msk [tilespmem:v55+s2+$0x0], $0xffff;
	_ =	sdelay $0x4  }
0x99: {  	[tilespmem:$0x6770] =	vst v8  }
0x9a: {  	[tilespmem:s11], [sflag:$0x1] =	stream.indirect.gather.add.f32 [hbm:s5], $0x40, s18, s9, $0xb8;
	[tilespmem:$0x8800] =	vst v63  }
0x9b: {  	v8 =	vld.idx.msk [tilespmem:v56+s2+$0x0], $0xffff;
	_ =	sdelay $0x4  }
0x9c: {  	[tilespmem:$0x6780] =	vst v8  }
0x9d: {  	v8 =	vld.idx.msk [tilespmem:v57+s2+$0x0], $0xffff;
	_ =	sdelay $0x4  }
0x9e: {  	[tilespmem:$0x6790] =	vst v8  }
0x9f: {  	v8 =	vld.idx.msk [tilespmem:v58+s2+$0x0], $0xffff;
	_ =	sdelay $0x4  }
0xa0: {  	[tilespmem:$0x67A0] =	vst v8  }
0xa1: {  	v8 =	vld.idx.msk [tilespmem:v59+s2+$0x0], $0xffff;
	_ =	sdelay $0x4  }
0xa2: {  	[tilespmem:$0x67B0] =	vst v8  }
0xa3: {  	v8 =	vld.idx.msk [tilespmem:v60+s2+$0x0], $0xffff;
	_ =	sdelay $0x4  }
0xa4: {  	[tilespmem:$0x67C0] =	vst v8  }
0xa5: {  	v8 =	vld.idx.msk [tilespmem:v61+s2+$0x0], $0xffff;
	_ =	sdelay $0x4  }
0xa6: {  	[tilespmem:$0x67D0] =	vst v8  }
0xa7: {  	v8 =	vld.idx.msk [tilespmem:v62+s2+$0x0], $0xffff;
	_ =	sdelay $0x4  }
0xa8: {  	[tilespmem:$0x67E0] =	vst v8  }
0xa9: {  	v8 =	vld.idx.msk [tilespmem:v63+s2+$0x0], $0xffff;
	_ =	sdelay $0x1  }
0xaa: {  	s30 =	simm.s32 $0x8  }
0xab: {  	v9 =	vmov s30  }
0xac: {  	v9 =	vand.u32 $0xFF, v9  }
0xad: {  	[tilespmem:$0x67F0] =	vst v8;
	v8 =	vadd.s32 v0, v9  }
0xae: {  	[tilespmem:s11], [sflag:$0x1] =	stream.indirect.gather.add.f32 [hbm:s5], $0x40, s19, s9, $0xb8;
	[tilespmem:$0x8800] =	vst v63  }
0xaf: {  	_ =	swait.ge [sflag:s12], $0x2000  }
0xb0: {  	[sflag:s12] =	ssyncset.done $0x0  }
0xb1: {  	[sflag:s12] =	ssyncadd.s32 $0xFFFFE000  }
0xb2: {  	v8 =	vld.idx.msk [tilespmem:v8+s2+$0x0], $0xffff  }
0xb3: {  	v10 =	vadd.s32 v1, v9;
	_ =	sdelay $0x1  }
0xb4: {  	s31 =	simm.s32 $0x400  }
0xb5: {  	s23 =	sand.u32 $0x380, s31  }
0xb6: {  	[tilespmem:s23+$0x6400] =	vst v8  }
0xb7: {  	v8 =	vld.idx.msk [tilespmem:v10+s2+$0x0], $0xffff  }
0xb8: {  	v10 =	vadd.s32 v2, v9;
	_ =	sdelay $0x3  }
0xb9: {  	[tilespmem:s23+$0x6410] =	vst v8  }
0xba: {  	v8 =	vld.idx.msk [tilespmem:v10+s2+$0x0], $0xffff  }
0xbb: {  	v10 =	vadd.s32 v3, v9;
	_ =	sdelay $0x3  }
0xbc: {  	[tilespmem:s23+$0x6420] =	vst v8  }
0xbd: {  	v8 =	vld.idx.msk [tilespmem:v10+s2+$0x0], $0xffff  }
0xbe: {  	v10 =	vadd.s32 v4, v9;
	_ =	sdelay $0x3  }
0xbf: {  	[tilespmem:s23+$0x6430] =	vst v8  }
0xc0: {  	v8 =	vld.idx.msk [tilespmem:v10+s2+$0x0], $0xffff  }
0xc1: {  	v10 =	vadd.s32 v5, v9;
	_ =	sdelay $0x3  }
0xc2: {  	[tilespmem:s23+$0x6440] =	vst v8  }
0xc3: {  	v8 =	vld.idx.msk [tilespmem:v10+s2+$0x0], $0xffff  }
0xc4: {  	v10 =	vadd.s32 v6, v9;
	_ =	sdelay $0x3  }
0xc5: {  	[tilespmem:s23+$0x6450] =	vst v8  }
0xc6: {  	v8 =	vld.idx.msk [tilespmem:v10+s2+$0x0], $0xffff  }
0xc7: {  	v9 =	vadd.s32 v7, v9;
	_ =	sdelay $0x3  }
0xc8: {  	[tilespmem:s23+$0x6460] =	vst v8  }
0xc9: {  	v9 =	vld.idx.msk [tilespmem:v9+s2+$0x0], $0xffff;
	_ =	sdelay $0x1  }
0xca: {  	s24 =	simm.s32 $0x9  }
0xcb: {  	v8 =	vmov s24  }
0xcc: {  	v8 =	vand.u32 $0xFF, v8  }
0xcd: {  	s25 =	sor.u32 $0x6400, s23;
	s24 =	simm.s32 $0xA;
	[tilespmem:s23+$0x6470] =	vst v9;
	v9 =	vadd.s32 v0, v8;
	s23 =	simm.s32 $0x480  }
.LBB2_3:
0xce: {  	[tilespmem:s11], [sflag:$0x1] =	stream.indirect.gather.add.f32 [hbm:s5], $0x40, s25, s9, $0xb8;
	[tilespmem:$0x8800] =	vst v63  }
0xcf: {  	s25 =	smov.u32 s24  }
0xd0: {  	p0 =	sne.s32 s24, $0xC7;
	s24 =	sadd.s32 $0x1, s24;
	_ =	swait.ge [sflag:s12], $0x2000  }
0xd1: {  	[sflag:s12] =	ssyncset.done $0x0  }
0xd2: {  	[sflag:s12] =	ssyncadd.s32 $0xFFFFE000  }
0xd3: {  	v9 =	vld.idx.msk [tilespmem:v9+s2+$0x0], $0xffff;
	_ =	sdelay $0x1  }
0xd4: {  	v10 =	vadd.s32 v1, v8;
	_ =	sdelay $0x2  }
0xd5: {  	s26 =	sand.u32 $0x380, s23  }
0xd6: {  	[tilespmem:s26+$0x6400] =	vst v9  }
0xd7: {  	v9 =	vld.idx.msk [tilespmem:v10+s2+$0x0], $0xffff;
	_ =	sdelay $0x1  }
0xd8: {  	v10 =	vadd.s32 v2, v8;
	_ =	sdelay $0x3  }
0xd9: {  	[tilespmem:s26+$0x6410] =	vst v9  }
0xda: {  	v9 =	vld.idx.msk [tilespmem:v10+s2+$0x0], $0xffff;
	_ =	sdelay $0x1  }
0xdb: {  	v10 =	vadd.s32 v3, v8;
	_ =	sdelay $0x3  }
0xdc: {  	[tilespmem:s26+$0x6420] =	vst v9  }
0xdd: {  	v9 =	vld.idx.msk [tilespmem:v10+s2+$0x0], $0xffff;
	_ =	sdelay $0x1  }
0xde: {  	v10 =	vadd.s32 v4, v8;
	_ =	sdelay $0x3  }
0xdf: {  	[tilespmem:s26+$0x6430] =	vst v9  }
0xe0: {  	v9 =	vld.idx.msk [tilespmem:v10+s2+$0x0], $0xffff;
	_ =	sdelay $0x1  }
0xe1: {  	v10 =	vadd.s32 v5, v8;
	_ =	sdelay $0x3  }
0xe2: {  	[tilespmem:s26+$0x6440] =	vst v9  }
0xe3: {  	v9 =	vld.idx.msk [tilespmem:v10+s2+$0x0], $0xffff;
	_ =	sdelay $0x1  }
0xe4: {  	v10 =	vadd.s32 v6, v8;
	_ =	sdelay $0x3  }
0xe5: {  	[tilespmem:s26+$0x6450] =	vst v9  }
0xe6: {  	v9 =	vld.idx.msk [tilespmem:v10+s2+$0x0], $0xffff;
	_ =	sdelay $0x1  }
0xe7: {  	v8 =	vadd.s32 v7, v8;
	_ =	sdelay $0x3  }
0xe8: {  	[tilespmem:s26+$0x6460] =	vst v9  }
0xe9: {  	v10 =	vld.idx.msk [tilespmem:v8+s2+$0x0], $0xffff;
	_ =	sdelay $0x1  }
.Ltmp0:
0xea: {  	(pc) =	sbr.rel @p0 .LBB2_3-.Ltmp0, $4  }
0xeb: {  	_ = 	snop  }
0xec: {  	v8 =	vmov s25  }
0xed: {  	v8 =	vand.u32 $0xFF, v8  }
0xee: {  	s23 =	sadd.s32 $0x80, s23;
	s25 =	sor.u32 $0x6400, s26;
	v9 =	vadd.s32 v0, v8;
	[tilespmem:s26+$0x6470] =	vst v10  }
0xef: {  	[tilespmem:s11], [sflag:$0x1] =	stream.indirect.gather.add.f32 [hbm:s5], $0x40, s25, s9, $0xb8;
	[tilespmem:$0x8800] =	vst v63  }
0xf0: {  	_ =	swait.ge [sflag:s12], $0x2000  }
0xf1: {  	[sflag:s12] =	ssyncset.done $0x0  }
0xf2: {  	[sflag:s12] =	ssyncadd.s32 $0xFFFFE000  }
0xf3: {  	v9 =	vld.idx.msk [tilespmem:v9+s2+$0x0], $0xffff  }
0xf4: {  	v10 =	vadd.s32 v1, v8;
	_ =	sdelay $0x2  }
0xf5: {  	s23 =	sand.u32 $0x380, s23  }
0xf6: {  	[tilespmem:s23+$0x6400] =	vst v9  }
0xf7: {  	v9 =	vld.idx.msk [tilespmem:v10+s2+$0x0], $0xffff  }
0xf8: {  	v10 =	vadd.s32 v2, v8;
	_ =	sdelay $0x3  }
0xf9: {  	[tilespmem:s23+$0x6410] =	vst v9  }
0xfa: {  	v9 =	vld.idx.msk [tilespmem:v10+s2+$0x0], $0xffff  }
0xfb: {  	v10 =	vadd.s32 v3, v8;
	_ =	sdelay $0x3  }
0xfc: {  	[tilespmem:s23+$0x6420] =	vst v9  }
0xfd: {  	v9 =	vld.idx.msk [tilespmem:v10+s2+$0x0], $0xffff  }
0xfe: {  	v10 =	vadd.s32 v4, v8;
	_ =	sdelay $0x3  }
0xff: {  	[tilespmem:s23+$0x6430] =	vst v9  }
0x100: {  	v9 =	vld.idx.msk [tilespmem:v10+s2+$0x0], $0xffff  }
0x101: {  	v10 =	vadd.s32 v5, v8;
	_ =	sdelay $0x3  }
0x102: {  	[tilespmem:s23+$0x6440] =	vst v9  }
0x103: {  	v9 =	vld.idx.msk [tilespmem:v10+s2+$0x0], $0xffff  }
0x104: {  	v10 =	vadd.s32 v6, v8;
	_ =	sdelay $0x3  }
0x105: {  	[tilespmem:s23+$0x6450] =	vst v9  }
0x106: {  	v9 =	vld.idx.msk [tilespmem:v10+s2+$0x0], $0xffff  }
0x107: {  	v8 =	vadd.s32 v7, v8;
	_ =	sdelay $0x3  }
0x108: {  	[tilespmem:s23+$0x6460] =	vst v9  }
0x109: {  	v8 =	vld.idx.msk [tilespmem:v8+s2+$0x0], $0xffff;
	_ =	sdelay $0x4  }
0x10a: {  	s24 =	sor.u32 $0x6400, s23;
	[tilespmem:s23+$0x6470] =	vst v8  }
0x10b: {  	[tilespmem:s11], [sflag:$0x1] =	stream.indirect.gather.add.f32 [hbm:s5], $0x40, s24, s9, $0xb8;
	[tilespmem:$0x8800] =	vst v63  }
0x10c: {  	_ =	swait.ge [sflag:s12], $0x2000  }
0x10d: {  	[sflag:s12] =	ssyncset.done $0x0  }
0x10e: {  	[sflag:s12] =	ssyncadd.s32 $0xFFFFE000  }
0x10f: {  	_ =	swait.ge [sflag:s12], $0x2000  }
0x110: {  	[sflag:s12] =	ssyncset.done $0x0  }
0x111: {  	[sflag:s12] =	ssyncadd.s32 $0xFFFFE000  }
0x112: {  	_ =	swait.ge [sflag:s12], $0x2000  }
0x113: {  	[sflag:s12] =	ssyncset.done $0x0  }
0x114: {  	[sflag:s12] =	ssyncadd.s32 $0xFFFFE000  }
0x115: {  	_ =	swait.ge [sflag:s12], $0x2000  }
0x116: {  	[sflag:s12] =	ssyncset.done $0x0  }
0x117: {  	[sflag:s12] =	ssyncadd.s32 $0xFFFFE000  }
0x118: {  	_ =	swait.ge [sflag:s12], $0x2000  }
0x119: {  	[sflag:s12] =	ssyncset.done $0x0  }
0x11a: {  	[sflag:s12] =	ssyncadd.s32 $0xFFFFE000  }
0x11b: {  	_ =	swait.ge [sflag:s12], $0x2000  }
0x11c: {  	[sflag:s12] =	ssyncset.done $0x0  }
0x11d: {  	[sflag:s12] =	ssyncadd.s32 $0xFFFFE000  }
0x11e: {  	s21 =	sadd.s32 $0x1, s21;
	_ =	swait.ge [sflag:s12], $0x2000  }
0x11f: {  	s22 =	sshll.u32 s22, $0xA;
	p0 =	sne.s32 s21, $0x4;
	[sflag:s12] =	ssyncset.done $0x0  }
.Ltmp1:
0x120: {  	s22 =	sadd.s32 s1, s22;
	[sflag:s12] =	ssyncadd.s32 $0xFFFFE000;
	(pc) =	sbr.rel @p0 .LBB2_2-.Ltmp1, $4  }
0x121: {  	[hbm4b:s22+s2] =	stream.linear.scatter [tilespmem:s11], [sflag:$0x2], $0x2000, $0x38;
	[tilespmem:$0x8800] =	vst v63  }
0x122: {  	_ =	swait.ge [sflag:s8], $0x2000  }
0x123: {  	[sflag:s8] =	ssyncset.done $0x0  }
0x124: {  	[sflag:s8] =	ssyncadd.s32 $0xFFFFE000  }
0x125: {  	s20 =	sadd.s32 $0x1, s20  }
0x126: {  	p0 =	sne.s32 s20, s7  }
.Ltmp2:
0x127: {  	_ = 	snop;
	(pc) =	sbr.rel @p0 .LBB2_1-.Ltmp2, $1  }
0x128: {  	_ =	sdelay $0x3  }
0x129: {  	_ =	sfence.sel $0x180000  }
0x12a: {  	[bflag:$0x0] =	sbarrier.arrive $0xFFFF  }
0x12b: {  	p0 =	sne.s32 s4, $0x0;
	_ =	strace $0x90000047  }
0x12c: {  	s0 =	sadd.s32 @!p0 $0x100000, s0;
	[bflag:$0x2] =	sbarrier.arrive $0xFFFF  }
0x12d: {  	[sflag:s0] =	ssyncadd.tile.s32 @!p0 $0x1;
	_ =	shalt  }
.Lfunc_end2:
_tile_overlayer_lowered:
.L_overlay_start_2:
0x12e: {  	(tag) =	ssettag $0x2  }
0x12f: {  	s0 =	rddreg [dreg:$0x0];
	s2 =	stileid.u32  }
0x130: {  	s1 =	rddreg [dreg:$0x1];
	p0 =	sne.s32 s2, $0x0  }
0x131: {  	s3 =	rddreg [dreg:$0x2];
	[bflag:$0x3] =	sbarrier.arrive $0xFFFF;
	s2 =	simm.s32 @!p0 $0x1C02  }
0x132: {  	[timem:s3], [sflag:s2] =	dma.local @!p0 [hbm:s0], s1  }
0x133: {  	s0 =	simm.s32 @!p0 $0x2  }
0x134: {  	_ =	swait.ge @!p0 [sflag:s0], s1  }
0x135: {  	s1 =	ssub.s32 @!p0 $0x0, s1;
	[sflag:s0] =	ssyncset.done @!p0 $0x0  }
0x136: {  	[sflag:s0] =	ssyncadd.s32 @!p0 s1  }
0x137: {  	[bflag:$0x3] =	sbarrier.arrive $0xFFFF  }
0x138: {  	_ =	shalt  }

</sc_bundles>
